<compile_context>
chip_gen: v7x
topology: tpu7x:2x2x1
jax: 0.10.2.dev20260603
libtpu: 0.0.44.dev20260713+nightly
codegen_flags: <defaults>
</compile_context>

<pallas_src>
import functools

import jax
import jax.numpy as jnp
from jax import lax
from jax.experimental import pallas as pl
from jax.experimental.pallas import tpu as pltpu
from jax.experimental.pallas import tpu_sc as plsc

_N = 10000
_D = 128
_NC = 2
_NS = 16
_NW = _NC * _NS
_K = 128
_NPAD = 10240
_RPT = _NPAD // _NS
_CHUNKS = 80
_EPAD = _NW * _CHUNKS * _K
_ROWS = _EPAD // _K
_ADT = jnp.bfloat16


def _sc_aggregate(with_deg):
  mesh = plsc.VectorSubcoreMesh(core_axis_name="c", subcore_axis_name="s",
                                num_cores=_NC, num_subcores=_NS)
  if with_deg:
    out_type = [jax.ShapeDtypeStruct((_NC, _NPAD, _D), _ADT),
                jax.ShapeDtypeStruct((_NW, _NPAD), jnp.float32)]
  else:
    out_type = jax.ShapeDtypeStruct((_NC, _NPAD, _D), _ADT)
  scratch = [
      pltpu.VMEM((_CHUNKS, _K), jnp.int32),
      pltpu.VMEM((_CHUNKS, _K), jnp.int32),
      pltpu.VMEM((_K, _D), _ADT),
      pltpu.VMEM((_K, _D), _ADT),
      pltpu.VMEM((_K, _D), _ADT),
      pltpu.VMEM((_K, _D), _ADT),
      pltpu.VMEM((_K, _D), _ADT),
      pltpu.VMEM_SHARED((_NPAD, _D), _ADT),
  ] + [pltpu.SemaphoreType.DMA] * 5
  if with_deg:
    scratch += [pltpu.VMEM((_NPAD,), jnp.float32)]

  def body(x_hbm, src_hbm, dst_hbm, za_hbm, *rest):
    if with_deg:
      (acc_out, deg_out, src_v, dst_v, *rb) = rest
      rows_list, (acc_sh, *sems, deg_v) = rb[:5], rb[5:]
    else:
      (acc_out, src_v, dst_v, *rb) = rest
      rows_list, (acc_sh, *sems) = rb[:5], rb[5:]
    c = lax.axis_index("c")
    s = lax.axis_index("s")
    t = c * _NS + s

    pltpu.sync_copy(src_hbm.at[pl.ds(t * _CHUNKS, _CHUNKS)], src_v)
    pltpu.sync_copy(dst_hbm.at[pl.ds(t * _CHUNKS, _CHUNKS)], dst_v)
    pltpu.sync_copy(za_hbm, acc_sh.at[pl.ds(s * _RPT, _RPT)])
    if with_deg:
      zeros16 = jnp.zeros((16,), jnp.float32)
      def zero_body(i, carry):
        deg_v[pl.ds(i * 16, 16)] = zeros16
        return carry
      lax.fori_loop(0, _NPAD // 16, zero_body, 0)
    plsc.subcore_barrier()

    def g_start(j, buf, sem):
      pltpu.async_copy(x_hbm.at[src_v.at[j]], buf, sem)

    def g_wait(buf, sem):
      pltpu.make_async_copy(x_hbm.at[src_v.at[0]], buf, sem).wait()

    ones16 = jnp.ones((16,), jnp.float32)

    def scat(j, buf):
      pltpu.sync_copy(buf, acc_sh.at[dst_v.at[j]], add=True)
      if with_deg:
        for v in range(_K // 16):
          idx = dst_v[j, pl.ds(v * 16, 16)]
          plsc.addupdate_scatter(deg_v, [idx], ones16)

    bufs = tuple(zip(rows_list, sems))

    def loop_body(k, carry):
      j0 = 5 * k
      for b, (buf, sem) in enumerate(bufs):
        g_start(j0 + b, buf, sem)
      for b, (buf, sem) in enumerate(bufs):
        g_wait(buf, sem)
        scat(j0 + b, buf)
      return carry

    lax.fori_loop(0, _CHUNKS // 5, loop_body, 0)
    plsc.subcore_barrier()

    pltpu.sync_copy(acc_sh.at[pl.ds(s * _RPT, _RPT)],
                    acc_out.at[c, pl.ds(s * _RPT, _RPT)])
    if with_deg:
      pltpu.sync_copy(deg_v, deg_out.at[t])

  return pl.kernel(
      body, out_type=out_type, mesh=mesh, scratch_types=scratch,
      compiler_params=pltpu.CompilerParams(needs_layout_passes=False,
                                           use_tc_tiling_on_sc=False))


def _dense_body(relu, p_ref, dg_ref, x_ref, wl_ref, wr_ref, b_ref, o_ref):
  acc = (p_ref[0].astype(jnp.float32)
         + p_ref[1].astype(jnp.float32))
  deg = jnp.sum(dg_ref[...], axis=0)[:, None]
  agg = acc / jnp.maximum(deg, 1.0)
  y = (jnp.dot(agg, wl_ref[...], preferred_element_type=jnp.float32)
       + jnp.dot(x_ref[...], wr_ref[...], preferred_element_type=jnp.float32)
       + b_ref[...])
  o_ref[...] = jnp.maximum(y, 0.0) if relu else y


def _tc_dense(parts, degp, xp, wlT, wrT, b, relu):
  blk = 2048
  grid = (_NPAD // blk,)
  return pl.pallas_call(
      functools.partial(_dense_body, relu),
      grid=grid,
      in_specs=[
          pl.BlockSpec((_NC, blk, _D), lambda i: (0, i, 0)),
          pl.BlockSpec((_NW, blk), lambda i: (0, i)),
          pl.BlockSpec((blk, _D), lambda i: (i, 0)),
          pl.BlockSpec((_D, _D), lambda i: (0, 0)),
          pl.BlockSpec((_D, _D), lambda i: (0, 0)),
          pl.BlockSpec((1, _D), lambda i: (0, 0)),
      ],
      out_specs=pl.BlockSpec((blk, _D), lambda i: (i, 0)),
      out_shape=jax.ShapeDtypeStruct((_NPAD, _D), jnp.float32),
  )(parts, degp, xp, wlT, wrT, b.reshape(1, _D))


def kernel(x, edge_index, node_type, W1l, b1l, W1r, W2l, b2l, W2r):
  f32 = jnp.float32
  x = x.astype(f32)
  src = edge_index[0].astype(jnp.int32)
  dst = edge_index[1].astype(jnp.int32)
  e = src.shape[0]
  pad = _EPAD - e
  pidx = jnp.arange(pad, dtype=jnp.int32)
  psrc = pidx % _N
  pdst = _N + (pidx % (_NPAD - _N))
  src2d = jnp.concatenate([src, psrc]).reshape(_ROWS, _K)
  dst2d = jnp.concatenate([dst, pdst]).reshape(_ROWS, _K)
  za = jnp.zeros((_RPT, _D), _ADT)
  xp = jnp.concatenate([x, jnp.zeros((_NPAD - _N, _D), f32)])
  xg = xp.astype(_ADT)

  agg = _sc_aggregate(True)
  parts1, degp = agg(xg, src2d, dst2d, za)
  h = _tc_dense(parts1, degp, xp, W1l.T, W1r.T, b1l, relu=True)
  parts2, _ = agg(h.astype(_ADT), src2d, dst2d, za)
  out = _tc_dense(parts2, degp, h, W2l.T, W2r.T, b2l, relu=False)
  return out[:_N]

# --- scband reference (transcript-rebuilt; emitter-appended) ---
"""Pipeline reference for scband-graph-sagemodel-6674379178178 (READ-ONLY COPY).

The authoritative reference and input builder live on the scoring server;
editing this copy changes nothing except your own understanding.
"""

import jax, jax.numpy as jnp
import numpy as np

N = 10000
E = 320000
D = 128


def sage_conv(x, src, dst, Wl, bl, Wr, n):
    # PyG SAGEConv (aggr='mean'): out = lin_l(mean_j x_j) + lin_r(x_i)
    msg = x[src]
    agg = jax.ops.segment_sum(msg, dst, num_segments=n)
    deg = jax.ops.segment_sum(jnp.ones((msg.shape[0], 1), x.dtype), dst, num_segments=n)
    agg = agg / jnp.clip(deg, 1.0)
    return agg @ Wl.T + bl + x @ Wr.T


def setup_inputs(seed: int = 0) -> dict:
    key = jax.random.key(seed)
    ks = jax.random.split(key, 10)
    s = 1.0 / np.sqrt(D)
    x = jax.random.normal(ks[0], (N, D), dtype=jnp.float32)
    edge_index = jax.random.randint(ks[1], (2, E), 0, N, dtype=jnp.int64)
    node_type = jax.random.randint(ks[2], (N,), 0, 2, dtype=jnp.int64)
    W1l = jax.random.normal(ks[3], (D, D), dtype=jnp.float32) * s
    b1l = jnp.zeros((D,), dtype=jnp.float32)
    W1r = jax.random.normal(ks[4], (D, D), dtype=jnp.float32) * s
    W2l = jax.random.normal(ks[5], (D, D), dtype=jnp.float32) * s
    b2l = jnp.zeros((D,), dtype=jnp.float32)
    W2r = jax.random.normal(ks[6], (D, D), dtype=jnp.float32) * s
    return {"x": x, "edge_index": edge_index, "node_type": node_type,
            "W1l": W1l, "b1l": b1l, "W1r": W1r,
            "W2l": W2l, "b2l": b2l, "W2r": W2r}


def reference(x, edge_index, node_type, W1l, b1l, W1r, W2l, b2l, W2r):
    src = edge_index[0]
    dst = edge_index[1]
    # GraphSAGEEncoder, num_layers=2, eval mode (dropout is identity)
    h = sage_conv(x, src, dst, W1l, b1l, W1r, N)
    h = jax.nn.relu(h)
    out = sage_conv(h, src, dst, W2l, b2l, W2r, N)
    # node_type split (user_mask / item_mask) is a pure gather view of `out`;
    # return the full embedding matrix as the canonical forward output.
    return out

if __name__ == "__main__":
    import jax
    _d = setup_inputs()
    print(jax.jit(kernel)(*tuple(_d.values())))

</pallas_src>

<mosaic_0001>
#map = affine_map<(d0, d1) -> (0, 0)>
#map1 = affine_map<(d0, d1) -> (0, 0, 0)>
module attributes {stable_mosaic.version = 14 : i64} {
  func.func @body(%arg0: i32, %arg1: i32, %arg2: memref<10240x128xbf16, #tpu.memory_space<hbm>>, %arg3: memref<2560x128xi32, #tpu.memory_space<hbm>>, %arg4: memref<2560x128xi32, #tpu.memory_space<hbm>>, %arg5: memref<640x128xbf16, #tpu.memory_space<hbm>>, %arg6: memref<2x10240x128xbf16, #tpu.memory_space<hbm>>, %arg7: memref<32x10240xf32, #tpu.memory_space<hbm>>, %arg8: memref<80x128xi32, #tpu.memory_space<vmem>>, %arg9: memref<80x128xi32, #tpu.memory_space<vmem>>, %arg10: memref<128x128xbf16, #tpu.memory_space<vmem>>, %arg11: memref<128x128xbf16, #tpu.memory_space<vmem>>, %arg12: memref<128x128xbf16, #tpu.memory_space<vmem>>, %arg13: memref<128x128xbf16, #tpu.memory_space<vmem>>, %arg14: memref<128x128xbf16, #tpu.memory_space<vmem>>, %arg15: memref<10240x128xbf16, #tpu.memory_space<vmem_shared>>, %arg16: memref<!tpu.dma_semaphore, #tpu.memory_space<semaphore_mem>>, %arg17: memref<!tpu.dma_semaphore, #tpu.memory_space<semaphore_mem>>, %arg18: memref<!tpu.dma_semaphore, #tpu.memory_space<semaphore_mem>>, %arg19: memref<!tpu.dma_semaphore, #tpu.memory_space<semaphore_mem>>, %arg20: memref<!tpu.dma_semaphore, #tpu.memory_space<semaphore_mem>>, %arg21: memref<10240xf32, #tpu.memory_space<vmem>>) attributes {dimension_semantics = [#tpu.dimension_semantics<core_parallel>, #tpu.dimension_semantics<subcore_parallel>], iteration_bounds = array<i64: 2, 16>, scalar_prefetch = 0 : i64, scratch_operands = 14 : i64, tpu.core_type = #tpu.core_type<sc_vector_subcore>, window_params = [{transform_indices = #map}, {transform_indices = #map}, {transform_indices = #map}, {transform_indices = #map}, {transform_indices = #map1}, {transform_indices = #map}]} {
    %mul3A = arith.constant 16 : i32
    %mul3A_0 = arith.muli %arg0, %mul3A : i32
    %add3A = arith.addi %mul3A_0, %arg1 : i32
    %mul3A_1 = arith.constant 80 : i32
    %mul3A_2 = arith.muli %add3A, %mul3A_1 : i32
    "tpu.region"() ({
      %run_scoped3A = tpu.sem_alloc : memref<!tpu.dma_semaphore, #tpu.memory_space<semaphore_mem>>
      %dma_start3A = arith.constant 0 : i32
      %dma_start3A_26 = tpu.memref_slice %arg3[%mul3A_2, %dma_start3A] : memref<2560x128xi32, #tpu.memory_space<hbm>> -> memref<80x128xi32, #tpu.memory_space<hbm>>
      %dma_start3A_27 = arith.constant 0 : i32
      %dma_start3A_28 = tpu.memref_slice %arg3[%mul3A_2, %dma_start3A_27] : memref<2560x128xi32, #tpu.memory_space<hbm>> -> memref<80x128xi32, #tpu.memory_space<hbm>>
      tpu.enqueue_dma source(%dma_start3A_28 : memref<80x128xi32, #tpu.memory_space<hbm>>) target(%arg8 : memref<80x128xi32, #tpu.memory_space<vmem>>) target_semaphore(%run_scoped3A : memref<!tpu.dma_semaphore, #tpu.memory_space<semaphore_mem>>)
      %dma_wait3A = arith.constant 0 : i32
      %dma_wait3A_29 = tpu.memref_slice %arg3[%mul3A_2, %dma_wait3A] : memref<2560x128xi32, #tpu.memory_space<hbm>> -> memref<80x128xi32, #tpu.memory_space<hbm>>
      %dma_wait3A_30 = arith.constant 0 : i32
      %dma_wait3A_31 = tpu.memref_slice %arg3[%mul3A_2, %dma_wait3A_30] : memref<2560x128xi32, #tpu.memory_space<hbm>> -> memref<80x128xi32, #tpu.memory_space<hbm>>
      tpu.wait_dma2 semaphore(%run_scoped3A : memref<!tpu.dma_semaphore, #tpu.memory_space<semaphore_mem>>) src(%dma_wait3A_31 : memref<80x128xi32, #tpu.memory_space<hbm>>) dst(%arg8 : memref<80x128xi32, #tpu.memory_space<vmem>>)
      tpu.yield
    }) : () -> ()
    %mul3A_3 = arith.constant 80 : i32
    %mul3A_4 = arith.muli %add3A, %mul3A_3 : i32
    "tpu.region"() ({
      %run_scoped3A = tpu.sem_alloc : memref<!tpu.dma_semaphore, #tpu.memory_space<semaphore_mem>>
      %dma_start3A = arith.constant 0 : i32
      %dma_start3A_26 = tpu.memref_slice %arg4[%mul3A_4, %dma_start3A] : memref<2560x128xi32, #tpu.memory_space<hbm>> -> memref<80x128xi32, #tpu.memory_space<hbm>>
      %dma_start3A_27 = arith.constant 0 : i32
      %dma_start3A_28 = tpu.memref_slice %arg4[%mul3A_4, %dma_start3A_27] : memref<2560x128xi32, #tpu.memory_space<hbm>> -> memref<80x128xi32, #tpu.memory_space<hbm>>
      tpu.enqueue_dma source(%dma_start3A_28 : memref<80x128xi32, #tpu.memory_space<hbm>>) target(%arg9 : memref<80x128xi32, #tpu.memory_space<vmem>>) target_semaphore(%run_scoped3A : memref<!tpu.dma_semaphore, #tpu.memory_space<semaphore_mem>>)
      %dma_wait3A = arith.constant 0 : i32
      %dma_wait3A_29 = tpu.memref_slice %arg4[%mul3A_4, %dma_wait3A] : memref<2560x128xi32, #tpu.memory_space<hbm>> -> memref<80x128xi32, #tpu.memory_space<hbm>>
      %dma_wait3A_30 = arith.constant 0 : i32
      %dma_wait3A_31 = tpu.memref_slice %arg4[%mul3A_4, %dma_wait3A_30] : memref<2560x128xi32, #tpu.memory_space<hbm>> -> memref<80x128xi32, #tpu.memory_space<hbm>>
      tpu.wait_dma2 semaphore(%run_scoped3A : memref<!tpu.dma_semaphore, #tpu.memory_space<semaphore_mem>>) src(%dma_wait3A_31 : memref<80x128xi32, #tpu.memory_space<hbm>>) dst(%arg9 : memref<80x128xi32, #tpu.memory_space<vmem>>)
      tpu.yield
    }) : () -> ()
    %mul3A_5 = arith.constant 640 : i32
    %mul3A_6 = arith.muli %arg1, %mul3A_5 : i32
    "tpu.region"() ({
      %run_scoped3A = tpu.sem_alloc : memref<!tpu.dma_semaphore, #tpu.memory_space<semaphore_mem>>
      %dma_start3A = arith.constant 0 : i32
      %dma_start3A_26 = tpu.memref_slice %arg15[%mul3A_6, %dma_start3A] : memref<10240x128xbf16, #tpu.memory_space<vmem_shared>> -> memref<640x128xbf16, #tpu.memory_space<vmem_shared>>
      tpu.enqueue_dma source(%arg5 : memref<640x128xbf16, #tpu.memory_space<hbm>>) target(%dma_start3A_26 : memref<640x128xbf16, #tpu.memory_space<vmem_shared>>) target_semaphore(%run_scoped3A : memref<!tpu.dma_semaphore, #tpu.memory_space<semaphore_mem>>)
      %dma_wait3A = arith.constant 0 : i32
      %dma_wait3A_27 = tpu.memref_slice %arg15[%mul3A_6, %dma_wait3A] : memref<10240x128xbf16, #tpu.memory_space<vmem_shared>> -> memref<640x128xbf16, #tpu.memory_space<vmem_shared>>
      tpu.wait_dma2 semaphore(%run_scoped3A : memref<!tpu.dma_semaphore, #tpu.memory_space<semaphore_mem>>) src(%arg5 : memref<640x128xbf16, #tpu.memory_space<hbm>>) dst(%dma_wait3A_27 : memref<640x128xbf16, #tpu.memory_space<vmem_shared>>)
      tpu.yield
    }) : () -> ()
    %broadcast_in_dim3A = arith.constant 0.000000e+00 : f32
    %broadcast_in_dim3A_7 = vector.broadcast %broadcast_in_dim3A : f32 to vector<16xf32>
    %scan3A = arith.constant 0 : i32
    %scan3A_8 = arith.constant 0 : i32
    %scan3A_9 = arith.constant 640 : i32
    %scan3A_10 = arith.addi %scan3A_8, %scan3A_9 : i32
    %scan3A_11 = arith.constant 1 : i32
    scf.for %scan3A_26 = %scan3A_8 to %scan3A_10 step %scan3A_11  : i32 {
      %mul3A_27 = arith.constant 16 : i32
      %mul3A_28 = arith.muli %scan3A_26, %mul3A_27 : i32
      %swap3A = arith.index_cast %mul3A_28 : i32 to index
      %swap3A_29 = tpu.vector_load %arg21[%swap3A] {strides = array<i32>} : memref<10240xf32, #tpu.memory_space<vmem>>, vector<16xf32>,
      tpu.vector_store %arg21[%swap3A], %broadcast_in_dim3A_7 {strides = array<i32>} : memref<10240xf32, #tpu.memory_space<vmem>>, vector<16xf32>,
    }
    %scan3A_12 = arith.constant 640 : i32
    %barrier3A = arith.constant 0 : index
    tpu.barrier barrier_id(%barrier3A)
    %broadcast_in_dim3A_13 = arith.constant 1.000000e+00 : f32
    %broadcast_in_dim3A_14 = vector.broadcast %broadcast_in_dim3A_13 : f32 to vector<16xf32>
    %scan3A_15 = arith.constant 0 : i32
    %scan3A_16 = arith.constant 0 : i32
    %scan3A_17 = arith.constant 16 : i32
    %scan3A_18 = arith.addi %scan3A_16, %scan3A_17 : i32
    %scan3A_19 = arith.constant 1 : i32
    scf.for %scan3A_26 = %scan3A_16 to %scan3A_18 step %scan3A_19  : i32 {
      %mul3A_27 = arith.constant 5 : i32
      %mul3A_28 = arith.muli %mul3A_27, %scan3A_26 : i32
      %add3A_29 = arith.constant 0 : i32
      %add3A_30 = arith.addi %mul3A_28, %add3A_29 : i32
      %dma_start3A = arith.constant 0 : i32
      %dma_start3A_31 = tpu.memref_slice %arg8[%add3A_30, %dma_start3A] : memref<80x128xi32, #tpu.memory_space<vmem>> -> memref<1x128xi32, #tpu.memory_space<vmem>>
      %dma_start3A_32 = tpu.memref_squeeze %dma_start3A_31 : memref<1x128xi32, #tpu.memory_space<vmem>> -> memref<128xi32, #tpu.memory_space<vmem>>
      %dma_start3A_33 = arith.constant 0 : i32
      %dma_start3A_34 = arith.constant 0 : i32
      %dma_start3A_35 = tpu.memref_slice %arg2[%dma_start3A_33, %dma_start3A_34] : memref<10240x128xbf16, #tpu.memory_space<hbm>> -> memref<10240x128xbf16, #tpu.memory_space<hbm>>
      tpu.enqueue_indirect_dma source(%dma_start3A_35 : memref<10240x128xbf16, #tpu.memory_space<hbm>>) target(%arg10 : memref<128x128xbf16, #tpu.memory_space<vmem>>) offsets(%dma_start3A_32 : memref<128xi32, #tpu.memory_space<vmem>>) semaphore(%arg16 : memref<!tpu.dma_semaphore, #tpu.memory_space<semaphore_mem>>)
      %add3A_36 = arith.constant 1 : i32
      %add3A_37 = arith.addi %mul3A_28, %add3A_36 : i32
      %dma_start3A_38 = arith.constant 0 : i32
      %dma_start3A_39 = tpu.memref_slice %arg8[%add3A_37, %dma_start3A_38] : memref<80x128xi32, #tpu.memory_space<vmem>> -> memref<1x128xi32, #tpu.memory_space<vmem>>
      %dma_start3A_40 = tpu.memref_squeeze %dma_start3A_39 : memref<1x128xi32, #tpu.memory_space<vmem>> -> memref<128xi32, #tpu.memory_space<vmem>>
      %dma_start3A_41 = arith.constant 0 : i32
      %dma_start3A_42 = arith.constant 0 : i32
      %dma_start3A_43 = tpu.memref_slice %arg2[%dma_start3A_41, %dma_start3A_42] : memref<10240x128xbf16, #tpu.memory_space<hbm>> -> memref<10240x128xbf16, #tpu.memory_space<hbm>>
      tpu.enqueue_indirect_dma source(%dma_start3A_43 : memref<10240x128xbf16, #tpu.memory_space<hbm>>) target(%arg11 : memref<128x128xbf16, #tpu.memory_space<vmem>>) offsets(%dma_start3A_40 : memref<128xi32, #tpu.memory_space<vmem>>) semaphore(%arg17 : memref<!tpu.dma_semaphore, #tpu.memory_space<semaphore_mem>>)
      %add3A_44 = arith.constant 2 : i32
      %add3A_45 = arith.addi %mul3A_28, %add3A_44 : i32
      %dma_start3A_46 = arith.constant 0 : i32
      %dma_start3A_47 = tpu.memref_slice %arg8[%add3A_45, %dma_start3A_46] : memref<80x128xi32, #tpu.memory_space<vmem>> -> memref<1x128xi32, #tpu.memory_space<vmem>>
      %dma_start3A_48 = tpu.memref_squeeze %dma_start3A_47 : memref<1x128xi32, #tpu.memory_space<vmem>> -> memref<128xi32, #tpu.memory_space<vmem>>
      %dma_start3A_49 = arith.constant 0 : i32
      %dma_start3A_50 = arith.constant 0 : i32
      %dma_start3A_51 = tpu.memref_slice %arg2[%dma_start3A_49, %dma_start3A_50] : memref<10240x128xbf16, #tpu.memory_space<hbm>> -> memref<10240x128xbf16, #tpu.memory_space<hbm>>
      tpu.enqueue_indirect_dma source(%dma_start3A_51 : memref<10240x128xbf16, #tpu.memory_space<hbm>>) target(%arg12 : memref<128x128xbf16, #tpu.memory_space<vmem>>) offsets(%dma_start3A_48 : memref<128xi32, #tpu.memory_space<vmem>>) semaphore(%arg18 : memref<!tpu.dma_semaphore, #tpu.memory_space<semaphore_mem>>)
      %add3A_52 = arith.constant 3 : i32
      %add3A_53 = arith.addi %mul3A_28, %add3A_52 : i32
      %dma_start3A_54 = arith.constant 0 : i32
      %dma_start3A_55 = tpu.memref_slice %arg8[%add3A_53, %dma_start3A_54] : memref<80x128xi32, #tpu.memory_space<vmem>> -> memref<1x128xi32, #tpu.memory_space<vmem>>
      %dma_start3A_56 = tpu.memref_squeeze %dma_start3A_55 : memref<1x128xi32, #tpu.memory_space<vmem>> -> memref<128xi32, #tpu.memory_space<vmem>>
      %dma_start3A_57 = arith.constant 0 : i32
      %dma_start3A_58 = arith.constant 0 : i32
      %dma_start3A_59 = tpu.memref_slice %arg2[%dma_start3A_57, %dma_start3A_58] : memref<10240x128xbf16, #tpu.memory_space<hbm>> -> memref<10240x128xbf16, #tpu.memory_space<hbm>>
      tpu.enqueue_indirect_dma source(%dma_start3A_59 : memref<10240x128xbf16, #tpu.memory_space<hbm>>) target(%arg13 : memref<128x128xbf16, #tpu.memory_space<vmem>>) offsets(%dma_start3A_56 : memref<128xi32, #tpu.memory_space<vmem>>) semaphore(%arg19 : memref<!tpu.dma_semaphore, #tpu.memory_space<semaphore_mem>>)
      %add3A_60 = arith.constant 4 : i32
      %add3A_61 = arith.addi %mul3A_28, %add3A_60 : i32
      %dma_start3A_62 = arith.constant 0 : i32
      %dma_start3A_63 = tpu.memref_slice %arg8[%add3A_61, %dma_start3A_62] : memref<80x128xi32, #tpu.memory_space<vmem>> -> memref<1x128xi32, #tpu.memory_space<vmem>>
      %dma_start3A_64 = tpu.memref_squeeze %dma_start3A_63 : memref<1x128xi32, #tpu.memory_space<vmem>> -> memref<128xi32, #tpu.memory_space<vmem>>
      %dma_start3A_65 = arith.constant 0 : i32
      %dma_start3A_66 = arith.constant 0 : i32
      %dma_start3A_67 = tpu.memref_slice %arg2[%dma_start3A_65, %dma_start3A_66] : memref<10240x128xbf16, #tpu.memory_space<hbm>> -> memref<10240x128xbf16, #tpu.memory_space<hbm>>
      tpu.enqueue_indirect_dma source(%dma_start3A_67 : memref<10240x128xbf16, #tpu.memory_space<hbm>>) target(%arg14 : memref<128x128xbf16, #tpu.memory_space<vmem>>) offsets(%dma_start3A_64 : memref<128xi32, #tpu.memory_space<vmem>>) semaphore(%arg20 : memref<!tpu.dma_semaphore, #tpu.memory_space<semaphore_mem>>)
      %dma_wait3A = arith.constant 0 : i32
      %dma_wait3A_68 = arith.constant 0 : i32
      %dma_wait3A_69 = tpu.memref_slice %arg8[%dma_wait3A, %dma_wait3A_68] : memref<80x128xi32, #tpu.memory_space<vmem>> -> memref<1x128xi32, #tpu.memory_space<vmem>>
      %dma_wait3A_70 = tpu.memref_squeeze %dma_wait3A_69 : memref<1x128xi32, #tpu.memory_space<vmem>> -> memref<128xi32, #tpu.memory_space<vmem>>
      %dma_wait3A_71 = arith.constant 0 : i32
      %dma_wait3A_72 = arith.constant 0 : i32
      %dma_wait3A_73 = tpu.memref_slice %arg2[%dma_wait3A_71, %dma_wait3A_72] : memref<10240x128xbf16, #tpu.memory_space<hbm>> -> memref<10240x128xbf16, #tpu.memory_space<hbm>>
      tpu.wait_indirect_dma semaphore(%arg16 : memref<!tpu.dma_semaphore, #tpu.memory_space<semaphore_mem>>) src(%dma_wait3A_73 : memref<10240x128xbf16, #tpu.memory_space<hbm>>) dst(%arg10 : memref<128x128xbf16, #tpu.memory_space<vmem>>)
      %add3A_74 = arith.constant 0 : i32
      %add3A_75 = arith.addi %mul3A_28, %add3A_74 : i32
      "tpu.region"() ({
        %run_scoped3A = tpu.sem_alloc : memref<!tpu.dma_semaphore, #tpu.memory_space<semaphore_mem>>
        %dma_start3A_231 = arith.constant 0 : i32
        %dma_start3A_232 = tpu.memref_slice %arg9[%add3A_75, %dma_start3A_231] : memref<80x128xi32, #tpu.memory_space<vmem>> -> memref<1x128xi32, #tpu.memory_space<vmem>>
        %dma_start3A_233 = tpu.memref_squeeze %dma_start3A_232 : memref<1x128xi32, #tpu.memory_space<vmem>> -> memref<128xi32, #tpu.memory_space<vmem>>
        %dma_start3A_234 = arith.constant 0 : i32
        %dma_start3A_235 = arith.constant 0 : i32
        %dma_start3A_236 = tpu.memref_slice %arg15[%dma_start3A_234, %dma_start3A_235] : memref<10240x128xbf16, #tpu.memory_space<vmem_shared>> -> memref<10240x128xbf16, #tpu.memory_space<vmem_shared>>
        tpu.enqueue_indirect_dma source(%arg10 : memref<128x128xbf16, #tpu.memory_space<vmem>>) target(%dma_start3A_236 : memref<10240x128xbf16, #tpu.memory_space<vmem_shared>>) offsets(%dma_start3A_233 : memref<128xi32, #tpu.memory_space<vmem>>) semaphore(%run_scoped3A : memref<!tpu.dma_semaphore, #tpu.memory_space<semaphore_mem>>) {add = true}
        %dma_wait3A_237 = arith.constant 0 : i32
        %dma_wait3A_238 = tpu.memref_slice %arg9[%add3A_75, %dma_wait3A_237] : memref<80x128xi32, #tpu.memory_space<vmem>> -> memref<1x128xi32, #tpu.memory_space<vmem>>
        %dma_wait3A_239 = tpu.memref_squeeze %dma_wait3A_238 : memref<1x128xi32, #tpu.memory_space<vmem>> -> memref<128xi32, #tpu.memory_space<vmem>>
        %dma_wait3A_240 = arith.constant 0 : i32
        %dma_wait3A_241 = arith.constant 0 : i32
        %dma_wait3A_242 = tpu.memref_slice %arg15[%dma_wait3A_240, %dma_wait3A_241] : memref<10240x128xbf16, #tpu.memory_space<vmem_shared>> -> memref<10240x128xbf16, #tpu.memory_space<vmem_shared>>
        tpu.wait_indirect_dma semaphore(%run_scoped3A : memref<!tpu.dma_semaphore, #tpu.memory_space<semaphore_mem>>) src(%arg10 : memref<128x128xbf16, #tpu.memory_space<vmem>>) dst(%dma_wait3A_242 : memref<10240x128xbf16, #tpu.memory_space<vmem_shared>>)
        tpu.yield
      }) : () -> ()
      %get3A = arith.index_cast %add3A_75 : i32 to index
      %get3A_76 = arith.constant 0 : index
      %get3A_77 = tpu.vector_load %arg9[%get3A, %get3A_76] {strides = array<i32>} : memref<80x128xi32, #tpu.memory_space<vmem>>, vector<16xi32>,
      tpu.vector_store_idx %arg21[%get3A_77], %broadcast_in_dim3A_14 {add = true} : memref<10240xf32, #tpu.memory_space<vmem>>[vector<16xi32>], vector<16xf32>,
      %get3A_78 = arith.index_cast %add3A_75 : i32 to index
      %get3A_79 = arith.constant 16 : index
      %get3A_80 = tpu.vector_load %arg9[%get3A_78, %get3A_79] {strides = array<i32>} : memref<80x128xi32, #tpu.memory_space<vmem>>, vector<16xi32>,
      tpu.vector_store_idx %arg21[%get3A_80], %broadcast_in_dim3A_14 {add = true} : memref<10240xf32, #tpu.memory_space<vmem>>[vector<16xi32>], vector<16xf32>,
      %get3A_81 = arith.index_cast %add3A_75 : i32 to index
      %get3A_82 = arith.constant 32 : index
      %get3A_83 = tpu.vector_load %arg9[%get3A_81, %get3A_82] {strides = array<i32>} : memref<80x128xi32, #tpu.memory_space<vmem>>, vector<16xi32>,
      tpu.vector_store_idx %arg21[%get3A_83], %broadcast_in_dim3A_14 {add = true} : memref<10240xf32, #tpu.memory_space<vmem>>[vector<16xi32>], vector<16xf32>,
      %get3A_84 = arith.index_cast %add3A_75 : i32 to index
      %get3A_85 = arith.constant 48 : index
      %get3A_86 = tpu.vector_load %arg9[%get3A_84, %get3A_85] {strides = array<i32>} : memref<80x128xi32, #tpu.memory_space<vmem>>, vector<16xi32>,
      tpu.vector_store_idx %arg21[%get3A_86], %broadcast_in_dim3A_14 {add = true} : memref<10240xf32, #tpu.memory_space<vmem>>[vector<16xi32>], vector<16xf32>,
      %get3A_87 = arith.index_cast %add3A_75 : i32 to index
      %get3A_88 = arith.constant 64 : index
      %get3A_89 = tpu.vector_load %arg9[%get3A_87, %get3A_88] {strides = array<i32>} : memref<80x128xi32, #tpu.memory_space<vmem>>, vector<16xi32>,
      tpu.vector_store_idx %arg21[%get3A_89], %broadcast_in_dim3A_14 {add = true} : memref<10240xf32, #tpu.memory_space<vmem>>[vector<16xi32>], vector<16xf32>,
      %get3A_90 = arith.index_cast %add3A_75 : i32 to index
      %get3A_91 = arith.constant 80 : index
      %get3A_92 = tpu.vector_load %arg9[%get3A_90, %get3A_91] {strides = array<i32>} : memref<80x128xi32, #tpu.memory_space<vmem>>, vector<16xi32>,
      tpu.vector_store_idx %arg21[%get3A_92], %broadcast_in_dim3A_14 {add = true} : memref<10240xf32, #tpu.memory_space<vmem>>[vector<16xi32>], vector<16xf32>,
      %get3A_93 = arith.index_cast %add3A_75 : i32 to index
      %get3A_94 = arith.constant 96 : index
      %get3A_95 = tpu.vector_load %arg9[%get3A_93, %get3A_94] {strides = array<i32>} : memref<80x128xi32, #tpu.memory_space<vmem>>, vector<16xi32>,
      tpu.vector_store_idx %arg21[%get3A_95], %broadcast_in_dim3A_14 {add = true} : memref<10240xf32, #tpu.memory_space<vmem>>[vector<16xi32>], vector<16xf32>,
      %get3A_96 = arith.index_cast %add3A_75 : i32 to index
      %get3A_97 = arith.constant 112 : index
      %get3A_98 = tpu.vector_load %arg9[%get3A_96, %get3A_97] {strides = array<i32>} : memref<80x128xi32, #tpu.memory_space<vmem>>, vector<16xi32>,
      tpu.vector_store_idx %arg21[%get3A_98], %broadcast_in_dim3A_14 {add = true} : memref<10240xf32, #tpu.memory_space<vmem>>[vector<16xi32>], vector<16xf32>,
      %dma_wait3A_99 = arith.constant 0 : i32
      %dma_wait3A_100 = arith.constant 0 : i32
      %dma_wait3A_101 = tpu.memref_slice %arg8[%dma_wait3A_99, %dma_wait3A_100] : memref<80x128xi32, #tpu.memory_space<vmem>> -> memref<1x128xi32, #tpu.memory_space<vmem>>
      %dma_wait3A_102 = tpu.memref_squeeze %dma_wait3A_101 : memref<1x128xi32, #tpu.memory_space<vmem>> -> memref<128xi32, #tpu.memory_space<vmem>>
      %dma_wait3A_103 = arith.constant 0 : i32
      %dma_wait3A_104 = arith.constant 0 : i32
      %dma_wait3A_105 = tpu.memref_slice %arg2[%dma_wait3A_103, %dma_wait3A_104] : memref<10240x128xbf16, #tpu.memory_space<hbm>> -> memref<10240x128xbf16, #tpu.memory_space<hbm>>
      tpu.wait_indirect_dma semaphore(%arg17 : memref<!tpu.dma_semaphore, #tpu.memory_space<semaphore_mem>>) src(%dma_wait3A_105 : memref<10240x128xbf16, #tpu.memory_space<hbm>>) dst(%arg11 : memref<128x128xbf16, #tpu.memory_space<vmem>>)
      %add3A_106 = arith.constant 1 : i32
      %add3A_107 = arith.addi %mul3A_28, %add3A_106 : i32
      "tpu.region"() ({
        %run_scoped3A = tpu.sem_alloc : memref<!tpu.dma_semaphore, #tpu.memory_space<semaphore_mem>>
        %dma_start3A_231 = arith.constant 0 : i32
        %dma_start3A_232 = tpu.memref_slice %arg9[%add3A_107, %dma_start3A_231] : memref<80x128xi32, #tpu.memory_space<vmem>> -> memref<1x128xi32, #tpu.memory_space<vmem>>
        %dma_start3A_233 = tpu.memref_squeeze %dma_start3A_232 : memref<1x128xi32, #tpu.memory_space<vmem>> -> memref<128xi32, #tpu.memory_space<vmem>>
        %dma_start3A_234 = arith.constant 0 : i32
        %dma_start3A_235 = arith.constant 0 : i32
        %dma_start3A_236 = tpu.memref_slice %arg15[%dma_start3A_234, %dma_start3A_235] : memref<10240x128xbf16, #tpu.memory_space<vmem_shared>> -> memref<10240x128xbf16, #tpu.memory_space<vmem_shared>>
        tpu.enqueue_indirect_dma source(%arg11 : memref<128x128xbf16, #tpu.memory_space<vmem>>) target(%dma_start3A_236 : memref<10240x128xbf16, #tpu.memory_space<vmem_shared>>) offsets(%dma_start3A_233 : memref<128xi32, #tpu.memory_space<vmem>>) semaphore(%run_scoped3A : memref<!tpu.dma_semaphore, #tpu.memory_space<semaphore_mem>>) {add = true}
        %dma_wait3A_237 = arith.constant 0 : i32
        %dma_wait3A_238 = tpu.memref_slice %arg9[%add3A_107, %dma_wait3A_237] : memref<80x128xi32, #tpu.memory_space<vmem>> -> memref<1x128xi32, #tpu.memory_space<vmem>>
        %dma_wait3A_239 = tpu.memref_squeeze %dma_wait3A_238 : memref<1x128xi32, #tpu.memory_space<vmem>> -> memref<128xi32, #tpu.memory_space<vmem>>
        %dma_wait3A_240 = arith.constant 0 : i32
        %dma_wait3A_241 = arith.constant 0 : i32
        %dma_wait3A_242 = tpu.memref_slice %arg15[%dma_wait3A_240, %dma_wait3A_241] : memref<10240x128xbf16, #tpu.memory_space<vmem_shared>> -> memref<10240x128xbf16, #tpu.memory_space<vmem_shared>>
        tpu.wait_indirect_dma semaphore(%run_scoped3A : memref<!tpu.dma_semaphore, #tpu.memory_space<semaphore_mem>>) src(%arg11 : memref<128x128xbf16, #tpu.memory_space<vmem>>) dst(%dma_wait3A_242 : memref<10240x128xbf16, #tpu.memory_space<vmem_shared>>)
        tpu.yield
      }) : () -> ()
      %get3A_108 = arith.index_cast %add3A_107 : i32 to index
      %get3A_109 = arith.constant 0 : index
      %get3A_110 = tpu.vector_load %arg9[%get3A_108, %get3A_109] {strides = array<i32>} : memref<80x128xi32, #tpu.memory_space<vmem>>, vector<16xi32>,
      tpu.vector_store_idx %arg21[%get3A_110], %broadcast_in_dim3A_14 {add = true} : memref<10240xf32, #tpu.memory_space<vmem>>[vector<16xi32>], vector<16xf32>,
      %get3A_111 = arith.index_cast %add3A_107 : i32 to index
      %get3A_112 = arith.constant 16 : index
      %get3A_113 = tpu.vector_load %arg9[%get3A_111, %get3A_112] {strides = array<i32>} : memref<80x128xi32, #tpu.memory_space<vmem>>, vector<16xi32>,
      tpu.vector_store_idx %arg21[%get3A_113], %broadcast_in_dim3A_14 {add = true} : memref<10240xf32, #tpu.memory_space<vmem>>[vector<16xi32>], vector<16xf32>,
      %get3A_114 = arith.index_cast %add3A_107 : i32 to index
      %get3A_115 = arith.constant 32 : index
      %get3A_116 = tpu.vector_load %arg9[%get3A_114, %get3A_115] {strides = array<i32>} : memref<80x128xi32, #tpu.memory_space<vmem>>, vector<16xi32>,
      tpu.vector_store_idx %arg21[%get3A_116], %broadcast_in_dim3A_14 {add = true} : memref<10240xf32, #tpu.memory_space<vmem>>[vector<16xi32>], vector<16xf32>,
      %get3A_117 = arith.index_cast %add3A_107 : i32 to index
      %get3A_118 = arith.constant 48 : index
      %get3A_119 = tpu.vector_load %arg9[%get3A_117, %get3A_118] {strides = array<i32>} : memref<80x128xi32, #tpu.memory_space<vmem>>, vector<16xi32>,
      tpu.vector_store_idx %arg21[%get3A_119], %broadcast_in_dim3A_14 {add = true} : memref<10240xf32, #tpu.memory_space<vmem>>[vector<16xi32>], vector<16xf32>,
      %get3A_120 = arith.index_cast %add3A_107 : i32 to index
      %get3A_121 = arith.constant 64 : index
      %get3A_122 = tpu.vector_load %arg9[%get3A_120, %get3A_121] {strides = array<i32>} : memref<80x128xi32, #tpu.memory_space<vmem>>, vector<16xi32>,
      tpu.vector_store_idx %arg21[%get3A_122], %broadcast_in_dim3A_14 {add = true} : memref<10240xf32, #tpu.memory_space<vmem>>[vector<16xi32>], vector<16xf32>,
      %get3A_123 = arith.index_cast %add3A_107 : i32 to index
      %get3A_124 = arith.constant 80 : index
      %get3A_125 = tpu.vector_load %arg9[%get3A_123, %get3A_124] {strides = array<i32>} : memref<80x128xi32, #tpu.memory_space<vmem>>, vector<16xi32>,
      tpu.vector_store_idx %arg21[%get3A_125], %broadcast_in_dim3A_14 {add = true} : memref<10240xf32, #tpu.memory_space<vmem>>[vector<16xi32>], vector<16xf32>,
      %get3A_126 = arith.index_cast %add3A_107 : i32 to index
      %get3A_127 = arith.constant 96 : index
      %get3A_128 = tpu.vector_load %arg9[%get3A_126, %get3A_127] {strides = array<i32>} : memref<80x128xi32, #tpu.memory_space<vmem>>, vector<16xi32>,
      tpu.vector_store_idx %arg21[%get3A_128], %broadcast_in_dim3A_14 {add = true} : memref<10240xf32, #tpu.memory_space<vmem>>[vector<16xi32>], vector<16xf32>,
      %get3A_129 = arith.index_cast %add3A_107 : i32 to index
      %get3A_130 = arith.constant 112 : index
      %get3A_131 = tpu.vector_load %arg9[%get3A_129, %get3A_130] {strides = array<i32>} : memref<80x128xi32, #tpu.memory_space<vmem>>, vector<16xi32>,
      tpu.vector_store_idx %arg21[%get3A_131], %broadcast_in_dim3A_14 {add = true} : memref<10240xf32, #tpu.memory_space<vmem>>[vector<16xi32>], vector<16xf32>,
      %dma_wait3A_132 = arith.constant 0 : i32
      %dma_wait3A_133 = arith.constant 0 : i32
      %dma_wait3A_134 = tpu.memref_slice %arg8[%dma_wait3A_132, %dma_wait3A_133] : memref<80x128xi32, #tpu.memory_space<vmem>> -> memref<1x128xi32, #tpu.memory_space<vmem>>
      %dma_wait3A_135 = tpu.memref_squeeze %dma_wait3A_134 : memref<1x128xi32, #tpu.memory_space<vmem>> -> memref<128xi32, #tpu.memory_space<vmem>>
      %dma_wait3A_136 = arith.constant 0 : i32
      %dma_wait3A_137 = arith.constant 0 : i32
      %dma_wait3A_138 = tpu.memref_slice %arg2[%dma_wait3A_136, %dma_wait3A_137] : memref<10240x128xbf16, #tpu.memory_space<hbm>> -> memref<10240x128xbf16, #tpu.memory_space<hbm>>
      tpu.wait_indirect_dma semaphore(%arg18 : memref<!tpu.dma_semaphore, #tpu.memory_space<semaphore_mem>>) src(%dma_wait3A_138 : memref<10240x128xbf16, #tpu.memory_space<hbm>>) dst(%arg12 : memref<128x128xbf16, #tpu.memory_space<vmem>>)
      %add3A_139 = arith.constant 2 : i32
      %add3A_140 = arith.addi %mul3A_28, %add3A_139 : i32
      "tpu.region"() ({
        %run_scoped3A = tpu.sem_alloc : memref<!tpu.dma_semaphore, #tpu.memory_space<semaphore_mem>>
        %dma_start3A_231 = arith.constant 0 : i32
        %dma_start3A_232 = tpu.memref_slice %arg9[%add3A_140, %dma_start3A_231] : memref<80x128xi32, #tpu.memory_space<vmem>> -> memref<1x128xi32, #tpu.memory_space<vmem>>
        %dma_start3A_233 = tpu.memref_squeeze %dma_start3A_232 : memref<1x128xi32, #tpu.memory_space<vmem>> -> memref<128xi32, #tpu.memory_space<vmem>>
        %dma_start3A_234 = arith.constant 0 : i32
        %dma_start3A_235 = arith.constant 0 : i32
        %dma_start3A_236 = tpu.memref_slice %arg15[%dma_start3A_234, %dma_start3A_235] : memref<10240x128xbf16, #tpu.memory_space<vmem_shared>> -> memref<10240x128xbf16, #tpu.memory_space<vmem_shared>>
        tpu.enqueue_indirect_dma source(%arg12 : memref<128x128xbf16, #tpu.memory_space<vmem>>) target(%dma_start3A_236 : memref<10240x128xbf16, #tpu.memory_space<vmem_shared>>) offsets(%dma_start3A_233 : memref<128xi32, #tpu.memory_space<vmem>>) semaphore(%run_scoped3A : memref<!tpu.dma_semaphore, #tpu.memory_space<semaphore_mem>>) {add = true}
        %dma_wait3A_237 = arith.constant 0 : i32
        %dma_wait3A_238 = tpu.memref_slice %arg9[%add3A_140, %dma_wait3A_237] : memref<80x128xi32, #tpu.memory_space<vmem>> -> memref<1x128xi32, #tpu.memory_space<vmem>>
        %dma_wait3A_239 = tpu.memref_squeeze %dma_wait3A_238 : memref<1x128xi32, #tpu.memory_space<vmem>> -> memref<128xi32, #tpu.memory_space<vmem>>
        %dma_wait3A_240 = arith.constant 0 : i32
        %dma_wait3A_241 = arith.constant 0 : i32
        %dma_wait3A_242 = tpu.memref_slice %arg15[%dma_wait3A_240, %dma_wait3A_241] : memref<10240x128xbf16, #tpu.memory_space<vmem_shared>> -> memref<10240x128xbf16, #tpu.memory_space<vmem_shared>>
        tpu.wait_indirect_dma semaphore(%run_scoped3A : memref<!tpu.dma_semaphore, #tpu.memory_space<semaphore_mem>>) src(%arg12 : memref<128x128xbf16, #tpu.memory_space<vmem>>) dst(%dma_wait3A_242 : memref<10240x128xbf16, #tpu.memory_space<vmem_shared>>)
        tpu.yield
      }) : () -> ()
      %get3A_141 = arith.index_cast %add3A_140 : i32 to index
      %get3A_142 = arith.constant 0 : index
      %get3A_143 = tpu.vector_load %arg9[%get3A_141, %get3A_142] {strides = array<i32>} : memref<80x128xi32, #tpu.memory_space<vmem>>, vector<16xi32>,
      tpu.vector_store_idx %arg21[%get3A_143], %broadcast_in_dim3A_14 {add = true} : memref<10240xf32, #tpu.memory_space<vmem>>[vector<16xi32>], vector<16xf32>,
      %get3A_144 = arith.index_cast %add3A_140 : i32 to index
      %get3A_145 = arith.constant 16 : index
      %get3A_146 = tpu.vector_load %arg9[%get3A_144, %get3A_145] {strides = array<i32>} : memref<80x128xi32, #tpu.memory_space<vmem>>, vector<16xi32>,
      tpu.vector_store_idx %arg21[%get3A_146], %broadcast_in_dim3A_14 {add = true} : memref<10240xf32, #tpu.memory_space<vmem>>[vector<16xi32>], vector<16xf32>,
      %get3A_147 = arith.index_cast %add3A_140 : i32 to index
      %get3A_148 = arith.constant 32 : index
      %get3A_149 = tpu.vector_load %arg9[%get3A_147, %get3A_148] {strides = array<i32>} : memref<80x128xi32, #tpu.memory_space<vmem>>, vector<16xi32>,
      tpu.vector_store_idx %arg21[%get3A_149], %broadcast_in_dim3A_14 {add = true} : memref<10240xf32, #tpu.memory_space<vmem>>[vector<16xi32>], vector<16xf32>,
      %get3A_150 = arith.index_cast %add3A_140 : i32 to index
      %get3A_151 = arith.constant 48 : index
      %get3A_152 = tpu.vector_load %arg9[%get3A_150, %get3A_151] {strides = array<i32>} : memref<80x128xi32, #tpu.memory_space<vmem>>, vector<16xi32>,
      tpu.vector_store_idx %arg21[%get3A_152], %broadcast_in_dim3A_14 {add = true} : memref<10240xf32, #tpu.memory_space<vmem>>[vector<16xi32>], vector<16xf32>,
      %get3A_153 = arith.index_cast %add3A_140 : i32 to index
      %get3A_154 = arith.constant 64 : index
      %get3A_155 = tpu.vector_load %arg9[%get3A_153, %get3A_154] {strides = array<i32>} : memref<80x128xi32, #tpu.memory_space<vmem>>, vector<16xi32>,
      tpu.vector_store_idx %arg21[%get3A_155], %broadcast_in_dim3A_14 {add = true} : memref<10240xf32, #tpu.memory_space<vmem>>[vector<16xi32>], vector<16xf32>,
      %get3A_156 = arith.index_cast %add3A_140 : i32 to index
      %get3A_157 = arith.constant 80 : index
      %get3A_158 = tpu.vector_load %arg9[%get3A_156, %get3A_157] {strides = array<i32>} : memref<80x128xi32, #tpu.memory_space<vmem>>, vector<16xi32>,
      tpu.vector_store_idx %arg21[%get3A_158], %broadcast_in_dim3A_14 {add = true} : memref<10240xf32, #tpu.memory_space<vmem>>[vector<16xi32>], vector<16xf32>,
      %get3A_159 = arith.index_cast %add3A_140 : i32 to index
      %get3A_160 = arith.constant 96 : index
      %get3A_161 = tpu.vector_load %arg9[%get3A_159, %get3A_160] {strides = array<i32>} : memref<80x128xi32, #tpu.memory_space<vmem>>, vector<16xi32>,
      tpu.vector_store_idx %arg21[%get3A_161], %broadcast_in_dim3A_14 {add = true} : memref<10240xf32, #tpu.memory_space<vmem>>[vector<16xi32>], vector<16xf32>,
      %get3A_162 = arith.index_cast %add3A_140 : i32 to index
      %get3A_163 = arith.constant 112 : index
      %get3A_164 = tpu.vector_load %arg9[%get3A_162, %get3A_163] {strides = array<i32>} : memref<80x128xi32, #tpu.memory_space<vmem>>, vector<16xi32>,
      tpu.vector_store_idx %arg21[%get3A_164], %broadcast_in_dim3A_14 {add = true} : memref<10240xf32, #tpu.memory_space<vmem>>[vector<16xi32>], vector<16xf32>,
      %dma_wait3A_165 = arith.constant 0 : i32
      %dma_wait3A_166 = arith.constant 0 : i32
      %dma_wait3A_167 = tpu.memref_slice %arg8[%dma_wait3A_165, %dma_wait3A_166] : memref<80x128xi32, #tpu.memory_space<vmem>> -> memref<1x128xi32, #tpu.memory_space<vmem>>
      %dma_wait3A_168 = tpu.memref_squeeze %dma_wait3A_167 : memref<1x128xi32, #tpu.memory_space<vmem>> -> memref<128xi32, #tpu.memory_space<vmem>>
      %dma_wait3A_169 = arith.constant 0 : i32
      %dma_wait3A_170 = arith.constant 0 : i32
      %dma_wait3A_171 = tpu.memref_slice %arg2[%dma_wait3A_169, %dma_wait3A_170] : memref<10240x128xbf16, #tpu.memory_space<hbm>> -> memref<10240x128xbf16, #tpu.memory_space<hbm>>
      tpu.wait_indirect_dma semaphore(%arg19 : memref<!tpu.dma_semaphore, #tpu.memory_space<semaphore_mem>>) src(%dma_wait3A_171 : memref<10240x128xbf16, #tpu.memory_space<hbm>>) dst(%arg13 : memref<128x128xbf16, #tpu.memory_space<vmem>>)
      %add3A_172 = arith.constant 3 : i32
      %add3A_173 = arith.addi %mul3A_28, %add3A_172 : i32
      "tpu.region"() ({
        %run_scoped3A = tpu.sem_alloc : memref<!tpu.dma_semaphore, #tpu.memory_space<semaphore_mem>>
        %dma_start3A_231 = arith.constant 0 : i32
        %dma_start3A_232 = tpu.memref_slice %arg9[%add3A_173, %dma_start3A_231] : memref<80x128xi32, #tpu.memory_space<vmem>> -> memref<1x128xi32, #tpu.memory_space<vmem>>
        %dma_start3A_233 = tpu.memref_squeeze %dma_start3A_232 : memref<1x128xi32, #tpu.memory_space<vmem>> -> memref<128xi32, #tpu.memory_space<vmem>>
        %dma_start3A_234 = arith.constant 0 : i32
        %dma_start3A_235 = arith.constant 0 : i32
        %dma_start3A_236 = tpu.memref_slice %arg15[%dma_start3A_234, %dma_start3A_235] : memref<10240x128xbf16, #tpu.memory_space<vmem_shared>> -> memref<10240x128xbf16, #tpu.memory_space<vmem_shared>>
        tpu.enqueue_indirect_dma source(%arg13 : memref<128x128xbf16, #tpu.memory_space<vmem>>) target(%dma_start3A_236 : memref<10240x128xbf16, #tpu.memory_space<vmem_shared>>) offsets(%dma_start3A_233 : memref<128xi32, #tpu.memory_space<vmem>>) semaphore(%run_scoped3A : memref<!tpu.dma_semaphore, #tpu.memory_space<semaphore_mem>>) {add = true}
        %dma_wait3A_237 = arith.constant 0 : i32
        %dma_wait3A_238 = tpu.memref_slice %arg9[%add3A_173, %dma_wait3A_237] : memref<80x128xi32, #tpu.memory_space<vmem>> -> memref<1x128xi32, #tpu.memory_space<vmem>>
        %dma_wait3A_239 = tpu.memref_squeeze %dma_wait3A_238 : memref<1x128xi32, #tpu.memory_space<vmem>> -> memref<128xi32, #tpu.memory_space<vmem>>
        %dma_wait3A_240 = arith.constant 0 : i32
        %dma_wait3A_241 = arith.constant 0 : i32
        %dma_wait3A_242 = tpu.memref_slice %arg15[%dma_wait3A_240, %dma_wait3A_241] : memref<10240x128xbf16, #tpu.memory_space<vmem_shared>> -> memref<10240x128xbf16, #tpu.memory_space<vmem_shared>>
        tpu.wait_indirect_dma semaphore(%run_scoped3A : memref<!tpu.dma_semaphore, #tpu.memory_space<semaphore_mem>>) src(%arg13 : memref<128x128xbf16, #tpu.memory_space<vmem>>) dst(%dma_wait3A_242 : memref<10240x128xbf16, #tpu.memory_space<vmem_shared>>)
        tpu.yield
      }) : () -> ()
      %get3A_174 = arith.index_cast %add3A_173 : i32 to index
      %get3A_175 = arith.constant 0 : index
      %get3A_176 = tpu.vector_load %arg9[%get3A_174, %get3A_175] {strides = array<i32>} : memref<80x128xi32, #tpu.memory_space<vmem>>, vector<16xi32>,
      tpu.vector_store_idx %arg21[%get3A_176], %broadcast_in_dim3A_14 {add = true} : memref<10240xf32, #tpu.memory_space<vmem>>[vector<16xi32>], vector<16xf32>,
      %get3A_177 = arith.index_cast %add3A_173 : i32 to index
      %get3A_178 = arith.constant 16 : index
      %get3A_179 = tpu.vector_load %arg9[%get3A_177, %get3A_178] {strides = array<i32>} : memref<80x128xi32, #tpu.memory_space<vmem>>, vector<16xi32>,
      tpu.vector_store_idx %arg21[%get3A_179], %broadcast_in_dim3A_14 {add = true} : memref<10240xf32, #tpu.memory_space<vmem>>[vector<16xi32>], vector<16xf32>,
      %get3A_180 = arith.index_cast %add3A_173 : i32 to index
      %get3A_181 = arith.constant 32 : index
      %get3A_182 = tpu.vector_load %arg9[%get3A_180, %get3A_181] {strides = array<i32>} : memref<80x128xi32, #tpu.memory_space<vmem>>, vector<16xi32>,
      tpu.vector_store_idx %arg21[%get3A_182], %broadcast_in_dim3A_14 {add = true} : memref<10240xf32, #tpu.memory_space<vmem>>[vector<16xi32>], vector<16xf32>,
      %get3A_183 = arith.index_cast %add3A_173 : i32 to index
      %get3A_184 = arith.constant 48 : index
      %get3A_185 = tpu.vector_load %arg9[%get3A_183, %get3A_184] {strides = array<i32>} : memref<80x128xi32, #tpu.memory_space<vmem>>, vector<16xi32>,
      tpu.vector_store_idx %arg21[%get3A_185], %broadcast_in_dim3A_14 {add = true} : memref<10240xf32, #tpu.memory_space<vmem>>[vector<16xi32>], vector<16xf32>,
      %get3A_186 = arith.index_cast %add3A_173 : i32 to index
      %get3A_187 = arith.constant 64 : index
      %get3A_188 = tpu.vector_load %arg9[%get3A_186, %get3A_187] {strides = array<i32>} : memref<80x128xi32, #tpu.memory_space<vmem>>, vector<16xi32>,
      tpu.vector_store_idx %arg21[%get3A_188], %broadcast_in_dim3A_14 {add = true} : memref<10240xf32, #tpu.memory_space<vmem>>[vector<16xi32>], vector<16xf32>,
      %get3A_189 = arith.index_cast %add3A_173 : i32 to index
      %get3A_190 = arith.constant 80 : index
      %get3A_191 = tpu.vector_load %arg9[%get3A_189, %get3A_190] {strides = array<i32>} : memref<80x128xi32, #tpu.memory_space<vmem>>, vector<16xi32>,
      tpu.vector_store_idx %arg21[%get3A_191], %broadcast_in_dim3A_14 {add = true} : memref<10240xf32, #tpu.memory_space<vmem>>[vector<16xi32>], vector<16xf32>,
      %get3A_192 = arith.index_cast %add3A_173 : i32 to index
      %get3A_193 = arith.constant 96 : index
      %get3A_194 = tpu.vector_load %arg9[%get3A_192, %get3A_193] {strides = array<i32>} : memref<80x128xi32, #tpu.memory_space<vmem>>, vector<16xi32>,
      tpu.vector_store_idx %arg21[%get3A_194], %broadcast_in_dim3A_14 {add = true} : memref<10240xf32, #tpu.memory_space<vmem>>[vector<16xi32>], vector<16xf32>,
      %get3A_195 = arith.index_cast %add3A_173 : i32 to index
      %get3A_196 = arith.constant 112 : index
      %get3A_197 = tpu.vector_load %arg9[%get3A_195, %get3A_196] {strides = array<i32>} : memref<80x128xi32, #tpu.memory_space<vmem>>, vector<16xi32>,
      tpu.vector_store_idx %arg21[%get3A_197], %broadcast_in_dim3A_14 {add = true} : memref<10240xf32, #tpu.memory_space<vmem>>[vector<16xi32>], vector<16xf32>,
      %dma_wait3A_198 = arith.constant 0 : i32
      %dma_wait3A_199 = arith.constant 0 : i32
      %dma_wait3A_200 = tpu.memref_slice %arg8[%dma_wait3A_198, %dma_wait3A_199] : memref<80x128xi32, #tpu.memory_space<vmem>> -> memref<1x128xi32, #tpu.memory_space<vmem>>
      %dma_wait3A_201 = tpu.memref_squeeze %dma_wait3A_200 : memref<1x128xi32, #tpu.memory_space<vmem>> -> memref<128xi32, #tpu.memory_space<vmem>>
      %dma_wait3A_202 = arith.constant 0 : i32
      %dma_wait3A_203 = arith.constant 0 : i32
      %dma_wait3A_204 = tpu.memref_slice %arg2[%dma_wait3A_202, %dma_wait3A_203] : memref<10240x128xbf16, #tpu.memory_space<hbm>> -> memref<10240x128xbf16, #tpu.memory_space<hbm>>
      tpu.wait_indirect_dma semaphore(%arg20 : memref<!tpu.dma_semaphore, #tpu.memory_space<semaphore_mem>>) src(%dma_wait3A_204 : memref<10240x128xbf16, #tpu.memory_space<hbm>>) dst(%arg14 : memref<128x128xbf16, #tpu.memory_space<vmem>>)
      %add3A_205 = arith.constant 4 : i32
      %add3A_206 = arith.addi %mul3A_28, %add3A_205 : i32
      "tpu.region"() ({
        %run_scoped3A = tpu.sem_alloc : memref<!tpu.dma_semaphore, #tpu.memory_space<semaphore_mem>>
        %dma_start3A_231 = arith.constant 0 : i32
        %dma_start3A_232 = tpu.memref_slice %arg9[%add3A_206, %dma_start3A_231] : memref<80x128xi32, #tpu.memory_space<vmem>> -> memref<1x128xi32, #tpu.memory_space<vmem>>
        %dma_start3A_233 = tpu.memref_squeeze %dma_start3A_232 : memref<1x128xi32, #tpu.memory_space<vmem>> -> memref<128xi32, #tpu.memory_space<vmem>>
        %dma_start3A_234 = arith.constant 0 : i32
        %dma_start3A_235 = arith.constant 0 : i32
        %dma_start3A_236 = tpu.memref_slice %arg15[%dma_start3A_234, %dma_start3A_235] : memref<10240x128xbf16, #tpu.memory_space<vmem_shared>> -> memref<10240x128xbf16, #tpu.memory_space<vmem_shared>>
        tpu.enqueue_indirect_dma source(%arg14 : memref<128x128xbf16, #tpu.memory_space<vmem>>) target(%dma_start3A_236 : memref<10240x128xbf16, #tpu.memory_space<vmem_shared>>) offsets(%dma_start3A_233 : memref<128xi32, #tpu.memory_space<vmem>>) semaphore(%run_scoped3A : memref<!tpu.dma_semaphore, #tpu.memory_space<semaphore_mem>>) {add = true}
        %dma_wait3A_237 = arith.constant 0 : i32
        %dma_wait3A_238 = tpu.memref_slice %arg9[%add3A_206, %dma_wait3A_237] : memref<80x128xi32, #tpu.memory_space<vmem>> -> memref<1x128xi32, #tpu.memory_space<vmem>>
        %dma_wait3A_239 = tpu.memref_squeeze %dma_wait3A_238 : memref<1x128xi32, #tpu.memory_space<vmem>> -> memref<128xi32, #tpu.memory_space<vmem>>
        %dma_wait3A_240 = arith.constant 0 : i32
        %dma_wait3A_241 = arith.constant 0 : i32
        %dma_wait3A_242 = tpu.memref_slice %arg15[%dma_wait3A_240, %dma_wait3A_241] : memref<10240x128xbf16, #tpu.memory_space<vmem_shared>> -> memref<10240x128xbf16, #tpu.memory_space<vmem_shared>>
        tpu.wait_indirect_dma semaphore(%run_scoped3A : memref<!tpu.dma_semaphore, #tpu.memory_space<semaphore_mem>>) src(%arg14 : memref<128x128xbf16, #tpu.memory_space<vmem>>) dst(%dma_wait3A_242 : memref<10240x128xbf16, #tpu.memory_space<vmem_shared>>)
        tpu.yield
      }) : () -> ()
      %get3A_207 = arith.index_cast %add3A_206 : i32 to index
      %get3A_208 = arith.constant 0 : index
      %get3A_209 = tpu.vector_load %arg9[%get3A_207, %get3A_208] {strides = array<i32>} : memref<80x128xi32, #tpu.memory_space<vmem>>, vector<16xi32>,
      tpu.vector_store_idx %arg21[%get3A_209], %broadcast_in_dim3A_14 {add = true} : memref<10240xf32, #tpu.memory_space<vmem>>[vector<16xi32>], vector<16xf32>,
      %get3A_210 = arith.index_cast %add3A_206 : i32 to index
      %get3A_211 = arith.constant 16 : index
      %get3A_212 = tpu.vector_load %arg9[%get3A_210, %get3A_211] {strides = array<i32>} : memref<80x128xi32, #tpu.memory_space<vmem>>, vector<16xi32>,
      tpu.vector_store_idx %arg21[%get3A_212], %broadcast_in_dim3A_14 {add = true} : memref<10240xf32, #tpu.memory_space<vmem>>[vector<16xi32>], vector<16xf32>,
      %get3A_213 = arith.index_cast %add3A_206 : i32 to index
      %get3A_214 = arith.constant 32 : index
      %get3A_215 = tpu.vector_load %arg9[%get3A_213, %get3A_214] {strides = array<i32>} : memref<80x128xi32, #tpu.memory_space<vmem>>, vector<16xi32>,
      tpu.vector_store_idx %arg21[%get3A_215], %broadcast_in_dim3A_14 {add = true} : memref<10240xf32, #tpu.memory_space<vmem>>[vector<16xi32>], vector<16xf32>,
      %get3A_216 = arith.index_cast %add3A_206 : i32 to index
      %get3A_217 = arith.constant 48 : index
      %get3A_218 = tpu.vector_load %arg9[%get3A_216, %get3A_217] {strides = array<i32>} : memref<80x128xi32, #tpu.memory_space<vmem>>, vector<16xi32>,
      tpu.vector_store_idx %arg21[%get3A_218], %broadcast_in_dim3A_14 {add = true} : memref<10240xf32, #tpu.memory_space<vmem>>[vector<16xi32>], vector<16xf32>,
      %get3A_219 = arith.index_cast %add3A_206 : i32 to index
      %get3A_220 = arith.constant 64 : index
      %get3A_221 = tpu.vector_load %arg9[%get3A_219, %get3A_220] {strides = array<i32>} : memref<80x128xi32, #tpu.memory_space<vmem>>, vector<16xi32>,
      tpu.vector_store_idx %arg21[%get3A_221], %broadcast_in_dim3A_14 {add = true} : memref<10240xf32, #tpu.memory_space<vmem>>[vector<16xi32>], vector<16xf32>,
      %get3A_222 = arith.index_cast %add3A_206 : i32 to index
      %get3A_223 = arith.constant 80 : index
      %get3A_224 = tpu.vector_load %arg9[%get3A_222, %get3A_223] {strides = array<i32>} : memref<80x128xi32, #tpu.memory_space<vmem>>, vector<16xi32>,
      tpu.vector_store_idx %arg21[%get3A_224], %broadcast_in_dim3A_14 {add = true} : memref<10240xf32, #tpu.memory_space<vmem>>[vector<16xi32>], vector<16xf32>,
      %get3A_225 = arith.index_cast %add3A_206 : i32 to index
      %get3A_226 = arith.constant 96 : index
      %get3A_227 = tpu.vector_load %arg9[%get3A_225, %get3A_226] {strides = array<i32>} : memref<80x128xi32, #tpu.memory_space<vmem>>, vector<16xi32>,
      tpu.vector_store_idx %arg21[%get3A_227], %broadcast_in_dim3A_14 {add = true} : memref<10240xf32, #tpu.memory_space<vmem>>[vector<16xi32>], vector<16xf32>,
      %get3A_228 = arith.index_cast %add3A_206 : i32 to index
      %get3A_229 = arith.constant 112 : index
      %get3A_230 = tpu.vector_load %arg9[%get3A_228, %get3A_229] {strides = array<i32>} : memref<80x128xi32, #tpu.memory_space<vmem>>, vector<16xi32>,
      tpu.vector_store_idx %arg21[%get3A_230], %broadcast_in_dim3A_14 {add = true} : memref<10240xf32, #tpu.memory_space<vmem>>[vector<16xi32>], vector<16xf32>,
    }
    %scan3A_20 = arith.constant 16 : i32
    %barrier3A_21 = arith.constant 0 : index
    tpu.barrier barrier_id(%barrier3A_21)
    %mul3A_22 = arith.constant 640 : i32
    %mul3A_23 = arith.muli %arg1, %mul3A_22 : i32
    %mul3A_24 = arith.constant 640 : i32
    %mul3A_25 = arith.muli %arg1, %mul3A_24 : i32
    "tpu.region"() ({
      %run_scoped3A = tpu.sem_alloc : memref<!tpu.dma_semaphore, #tpu.memory_space<semaphore_mem>>
      %dma_start3A = arith.constant 0 : i32
      %dma_start3A_26 = tpu.memref_slice %arg6[%arg0, %mul3A_25, %dma_start3A] : memref<2x10240x128xbf16, #tpu.memory_space<hbm>> -> memref<1x640x128xbf16, #tpu.memory_space<hbm>>
      %dma_start3A_27 = tpu.memref_squeeze %dma_start3A_26 : memref<1x640x128xbf16, #tpu.memory_space<hbm>> -> memref<640x128xbf16, #tpu.memory_space<hbm>>
      %dma_start3A_28 = arith.constant 0 : i32
      %dma_start3A_29 = tpu.memref_slice %arg15[%mul3A_23, %dma_start3A_28] : memref<10240x128xbf16, #tpu.memory_space<vmem_shared>> -> memref<640x128xbf16, #tpu.memory_space<vmem_shared>>
      tpu.enqueue_dma source(%dma_start3A_29 : memref<640x128xbf16, #tpu.memory_space<vmem_shared>>) target(%dma_start3A_27 : memref<640x128xbf16, #tpu.memory_space<hbm>>) target_semaphore(%run_scoped3A : memref<!tpu.dma_semaphore, #tpu.memory_space<semaphore_mem>>)
      %dma_wait3A = arith.constant 0 : i32
      %dma_wait3A_30 = tpu.memref_slice %arg6[%arg0, %mul3A_25, %dma_wait3A] : memref<2x10240x128xbf16, #tpu.memory_space<hbm>> -> memref<1x640x128xbf16, #tpu.memory_space<hbm>>
      %dma_wait3A_31 = tpu.memref_squeeze %dma_wait3A_30 : memref<1x640x128xbf16, #tpu.memory_space<hbm>> -> memref<640x128xbf16, #tpu.memory_space<hbm>>
      %dma_wait3A_32 = arith.constant 0 : i32
      %dma_wait3A_33 = tpu.memref_slice %arg15[%mul3A_23, %dma_wait3A_32] : memref<10240x128xbf16, #tpu.memory_space<vmem_shared>> -> memref<640x128xbf16, #tpu.memory_space<vmem_shared>>
      tpu.wait_dma2 semaphore(%run_scoped3A : memref<!tpu.dma_semaphore, #tpu.memory_space<semaphore_mem>>) src(%dma_wait3A_33 : memref<640x128xbf16, #tpu.memory_space<vmem_shared>>) dst(%dma_wait3A_31 : memref<640x128xbf16, #tpu.memory_space<hbm>>)
      tpu.yield
    }) : () -> ()
    "tpu.region"() ({
      %run_scoped3A = tpu.sem_alloc : memref<!tpu.dma_semaphore, #tpu.memory_space<semaphore_mem>>
      %dma_start3A = arith.constant 0 : i32
      %dma_start3A_26 = tpu.memref_slice %arg7[%add3A, %dma_start3A] : memref<32x10240xf32, #tpu.memory_space<hbm>> -> memref<1x10240xf32, #tpu.memory_space<hbm>>
      %dma_start3A_27 = tpu.memref_squeeze %dma_start3A_26 : memref<1x10240xf32, #tpu.memory_space<hbm>> -> memref<10240xf32, #tpu.memory_space<hbm>>
      %dma_start3A_28 = arith.constant 0 : i32
      %dma_start3A_29 = tpu.memref_slice %arg7[%add3A, %dma_start3A_28] : memref<32x10240xf32, #tpu.memory_space<hbm>> -> memref<1x10240xf32, #tpu.memory_space<hbm>>
      %dma_start3A_30 = tpu.memref_squeeze %dma_start3A_29 : memref<1x10240xf32, #tpu.memory_space<hbm>> -> memref<10240xf32, #tpu.memory_space<hbm>>
      tpu.enqueue_dma source(%arg21 : memref<10240xf32, #tpu.memory_space<vmem>>) target(%dma_start3A_30 : memref<10240xf32, #tpu.memory_space<hbm>>) target_semaphore(%run_scoped3A : memref<!tpu.dma_semaphore, #tpu.memory_space<semaphore_mem>>)
      %dma_wait3A = arith.constant 0 : i32
      %dma_wait3A_31 = tpu.memref_slice %arg7[%add3A, %dma_wait3A] : memref<32x10240xf32, #tpu.memory_space<hbm>> -> memref<1x10240xf32, #tpu.memory_space<hbm>>
      %dma_wait3A_32 = tpu.memref_squeeze %dma_wait3A_31 : memref<1x10240xf32, #tpu.memory_space<hbm>> -> memref<10240xf32, #tpu.memory_space<hbm>>
      %dma_wait3A_33 = arith.constant 0 : i32
      %dma_wait3A_34 = tpu.memref_slice %arg7[%add3A, %dma_wait3A_33] : memref<32x10240xf32, #tpu.memory_space<hbm>> -> memref<1x10240xf32, #tpu.memory_space<hbm>>
      %dma_wait3A_35 = tpu.memref_squeeze %dma_wait3A_34 : memref<1x10240xf32, #tpu.memory_space<hbm>> -> memref<10240xf32, #tpu.memory_space<hbm>>
      tpu.wait_dma2 semaphore(%run_scoped3A : memref<!tpu.dma_semaphore, #tpu.memory_space<semaphore_mem>>) src(%arg21 : memref<10240xf32, #tpu.memory_space<vmem>>) dst(%dma_wait3A_35 : memref<10240xf32, #tpu.memory_space<hbm>>)
      tpu.yield
    }) : () -> ()
    return
  }
}

#map = affine_map<(d0, d1) -> (0, 0)>
#map1 = affine_map<(d0, d1) -> (0, 0, 0)>
module attributes {stable_mosaic.version = 14 : i64} {
  func.func @body(%arg0: i32, %arg1: i32, %arg2: memref<10240x128xbf16, #tpu.memory_space<hbm>>, %arg3: memref<2560x128xi32, #tpu.memory_space<hbm>>, %arg4: memref<2560x128xi32, #tpu.memory_space<hbm>>, %arg5: memref<640x128xbf16, #tpu.memory_space<hbm>>, %arg6: memref<2x10240x128xbf16, #tpu.memory_space<hbm>>, %arg7: memref<32x10240xf32, #tpu.memory_space<hbm>>, %arg8: memref<80x128xi32, #tpu.memory_space<vmem>>, %arg9: memref<80x128xi32, #tpu.memory_space<vmem>>, %arg10: memref<128x128xbf16, #tpu.memory_space<vmem>>, %arg11: memref<128x128xbf16, #tpu.memory_space<vmem>>, %arg12: memref<128x128xbf16, #tpu.memory_space<vmem>>, %arg13: memref<128x128xbf16, #tpu.memory_space<vmem>>, %arg14: memref<128x128xbf16, #tpu.memory_space<vmem>>, %arg15: memref<10240x128xbf16, #tpu.memory_space<vmem_shared>>, %arg16: memref<!tpu.dma_semaphore, #tpu.memory_space<semaphore_mem>>, %arg17: memref<!tpu.dma_semaphore, #tpu.memory_space<semaphore_mem>>, %arg18: memref<!tpu.dma_semaphore, #tpu.memory_space<semaphore_mem>>, %arg19: memref<!tpu.dma_semaphore, #tpu.memory_space<semaphore_mem>>, %arg20: memref<!tpu.dma_semaphore, #tpu.memory_space<semaphore_mem>>, %arg21: memref<10240xf32, #tpu.memory_space<vmem>>) attributes {dimension_semantics = [#tpu.dimension_semantics<core_parallel>, #tpu.dimension_semantics<subcore_parallel>], iteration_bounds = array<i64: 2, 16>, scalar_prefetch = 0 : i64, scratch_operands = 14 : i64, tpu.core_type = #tpu.core_type<sc_vector_subcore>, window_params = [{transform_indices = #map}, {transform_indices = #map}, {transform_indices = #map}, {transform_indices = #map}, {transform_indices = #map1}, {transform_indices = #map}]} {
    %mul3A = arith.constant 16 : i32
    %mul3A_0 = arith.muli %arg0, %mul3A : i32
    %add3A = arith.addi %mul3A_0, %arg1 : i32
    %mul3A_1 = arith.constant 80 : i32
    %mul3A_2 = arith.muli %add3A, %mul3A_1 : i32
    "tpu.region"() ({
      %run_scoped3A = tpu.sem_alloc : memref<!tpu.dma_semaphore, #tpu.memory_space<semaphore_mem>>
      %dma_start3A = arith.constant 0 : i32
      %dma_start3A_26 = tpu.memref_slice %arg3[%mul3A_2, %dma_start3A] : memref<2560x128xi32, #tpu.memory_space<hbm>> -> memref<80x128xi32, #tpu.memory_space<hbm>>
      %dma_start3A_27 = arith.constant 0 : i32
      %dma_start3A_28 = tpu.memref_slice %arg3[%mul3A_2, %dma_start3A_27] : memref<2560x128xi32, #tpu.memory_space<hbm>> -> memref<80x128xi32, #tpu.memory_space<hbm>>
      tpu.enqueue_dma source(%dma_start3A_28 : memref<80x128xi32, #tpu.memory_space<hbm>>) target(%arg8 : memref<80x128xi32, #tpu.memory_space<vmem>>) target_semaphore(%run_scoped3A : memref<!tpu.dma_semaphore, #tpu.memory_space<semaphore_mem>>)
      %dma_wait3A = arith.constant 0 : i32
      %dma_wait3A_29 = tpu.memref_slice %arg3[%mul3A_2, %dma_wait3A] : memref<2560x128xi32, #tpu.memory_space<hbm>> -> memref<80x128xi32, #tpu.memory_space<hbm>>
      %dma_wait3A_30 = arith.constant 0 : i32
      %dma_wait3A_31 = tpu.memref_slice %arg3[%mul3A_2, %dma_wait3A_30] : memref<2560x128xi32, #tpu.memory_space<hbm>> -> memref<80x128xi32, #tpu.memory_space<hbm>>
      tpu.wait_dma2 semaphore(%run_scoped3A : memref<!tpu.dma_semaphore, #tpu.memory_space<semaphore_mem>>) src(%dma_wait3A_31 : memref<80x128xi32, #tpu.memory_space<hbm>>) dst(%arg8 : memref<80x128xi32, #tpu.memory_space<vmem>>)
      tpu.yield
    }) : () -> ()
    %mul3A_3 = arith.constant 80 : i32
    %mul3A_4 = arith.muli %add3A, %mul3A_3 : i32
    "tpu.region"() ({
      %run_scoped3A = tpu.sem_alloc : memref<!tpu.dma_semaphore, #tpu.memory_space<semaphore_mem>>
      %dma_start3A = arith.constant 0 : i32
      %dma_start3A_26 = tpu.memref_slice %arg4[%mul3A_4, %dma_start3A] : memref<2560x128xi32, #tpu.memory_space<hbm>> -> memref<80x128xi32, #tpu.memory_space<hbm>>
      %dma_start3A_27 = arith.constant 0 : i32
      %dma_start3A_28 = tpu.memref_slice %arg4[%mul3A_4, %dma_start3A_27] : memref<2560x128xi32, #tpu.memory_space<hbm>> -> memref<80x128xi32, #tpu.memory_space<hbm>>
      tpu.enqueue_dma source(%dma_start3A_28 : memref<80x128xi32, #tpu.memory_space<hbm>>) target(%arg9 : memref<80x128xi32, #tpu.memory_space<vmem>>) target_semaphore(%run_scoped3A : memref<!tpu.dma_semaphore, #tpu.memory_space<semaphore_mem>>)
      %dma_wait3A = arith.constant 0 : i32
      %dma_wait3A_29 = tpu.memref_slice %arg4[%mul3A_4, %dma_wait3A] : memref<2560x128xi32, #tpu.memory_space<hbm>> -> memref<80x128xi32, #tpu.memory_space<hbm>>
      %dma_wait3A_30 = arith.constant 0 : i32
      %dma_wait3A_31 = tpu.memref_slice %arg4[%mul3A_4, %dma_wait3A_30] : memref<2560x128xi32, #tpu.memory_space<hbm>> -> memref<80x128xi32, #tpu.memory_space<hbm>>
      tpu.wait_dma2 semaphore(%run_scoped3A : memref<!tpu.dma_semaphore, #tpu.memory_space<semaphore_mem>>) src(%dma_wait3A_31 : memref<80x128xi32, #tpu.memory_space<hbm>>) dst(%arg9 : memref<80x128xi32, #tpu.memory_space<vmem>>)
      tpu.yield
    }) : () -> ()
    %mul3A_5 = arith.constant 640 : i32
    %mul3A_6 = arith.muli %arg1, %mul3A_5 : i32
    "tpu.region"() ({
      %run_scoped3A = tpu.sem_alloc : memref<!tpu.dma_semaphore, #tpu.memory_space<semaphore_mem>>
      %dma_start3A = arith.constant 0 : i32
      %dma_start3A_26 = tpu.memref_slice %arg15[%mul3A_6, %dma_start3A] : memref<10240x128xbf16, #tpu.memory_space<vmem_shared>> -> memref<640x128xbf16, #tpu.memory_space<vmem_shared>>
      tpu.enqueue_dma source(%arg5 : memref<640x128xbf16, #tpu.memory_space<hbm>>) target(%dma_start3A_26 : memref<640x128xbf16, #tpu.memory_space<vmem_shared>>) target_semaphore(%run_scoped3A : memref<!tpu.dma_semaphore, #tpu.memory_space<semaphore_mem>>)
      %dma_wait3A = arith.constant 0 : i32
      %dma_wait3A_27 = tpu.memref_slice %arg15[%mul3A_6, %dma_wait3A] : memref<10240x128xbf16, #tpu.memory_space<vmem_shared>> -> memref<640x128xbf16, #tpu.memory_space<vmem_shared>>
      tpu.wait_dma2 semaphore(%run_scoped3A : memref<!tpu.dma_semaphore, #tpu.memory_space<semaphore_mem>>) src(%arg5 : memref<640x128xbf16, #tpu.memory_space<hbm>>) dst(%dma_wait3A_27 : memref<640x128xbf16, #tpu.memory_space<vmem_shared>>)
      tpu.yield
    }) : () -> ()
    %broadcast_in_dim3A = arith.constant 0.000000e+00 : f32
    %broadcast_in_dim3A_7 = vector.broadcast %broadcast_in_dim3A : f32 to vector<16xf32>
    %scan3A = arith.constant 0 : i32
    %scan3A_8 = arith.constant 0 : i32
    %scan3A_9 = arith.constant 640 : i32
    %scan3A_10 = arith.addi %scan3A_8, %scan3A_9 : i32
    %scan3A_11 = arith.constant 1 : i32
    scf.for %scan3A_26 = %scan3A_8 to %scan3A_10 step %scan3A_11  : i32 {
      %mul3A_27 = arith.constant 16 : i32
      %mul3A_28 = arith.muli %scan3A_26, %mul3A_27 : i32
      %swap3A = arith.index_cast %mul3A_28 : i32 to index
      %swap3A_29 = tpu.vector_load %arg21[%swap3A] {strides = array<i32>} : memref<10240xf32, #tpu.memory_space<vmem>>, vector<16xf32>,
      tpu.vector_store %arg21[%swap3A], %broadcast_in_dim3A_7 {strides = array<i32>} : memref<10240xf32, #tpu.memory_space<vmem>>, vector<16xf32>,
    }
    %scan3A_12 = arith.constant 640 : i32
    %barrier3A = arith.constant 0 : index
    tpu.barrier barrier_id(%barrier3A)
    %broadcast_in_dim3A_13 = arith.constant 1.000000e+00 : f32
    %broadcast_in_dim3A_14 = vector.broadcast %broadcast_in_dim3A_13 : f32 to vector<16xf32>
    %scan3A_15 = arith.constant 0 : i32
    %scan3A_16 = arith.constant 0 : i32
    %scan3A_17 = arith.constant 16 : i32
    %scan3A_18 = arith.addi %scan3A_16, %scan3A_17 : i32
    %scan3A_19 = arith.constant 1 : i32
    scf.for %scan3A_26 = %scan3A_16 to %scan3A_18 step %scan3A_19  : i32 {
      %mul3A_27 = arith.constant 5 : i32
      %mul3A_28 = arith.muli %mul3A_27, %scan3A_26 : i32
      %add3A_29 = arith.constant 0 : i32
      %add3A_30 = arith.addi %mul3A_28, %add3A_29 : i32
      %dma_start3A = arith.constant 0 : i32
      %dma_start3A_31 = tpu.memref_slice %arg8[%add3A_30, %dma_start3A] : memref<80x128xi32, #tpu.memory_space<vmem>> -> memref<1x128xi32, #tpu.memory_space<vmem>>
      %dma_start3A_32 = tpu.memref_squeeze %dma_start3A_31 : memref<1x128xi32, #tpu.memory_space<vmem>> -> memref<128xi32, #tpu.memory_space<vmem>>
      %dma_start3A_33 = arith.constant 0 : i32
      %dma_start3A_34 = arith.constant 0 : i32
      %dma_start3A_35 = tpu.memref_slice %arg2[%dma_start3A_33, %dma_start3A_34] : memref<10240x128xbf16, #tpu.memory_space<hbm>> -> memref<10240x128xbf16, #tpu.memory_space<hbm>>
      tpu.enqueue_indirect_dma source(%dma_start3A_35 : memref<10240x128xbf16, #tpu.memory_space<hbm>>) target(%arg10 : memref<128x128xbf16, #tpu.memory_space<vmem>>) offsets(%dma_start3A_32 : memref<128xi32, #tpu.memory_space<vmem>>) semaphore(%arg16 : memref<!tpu.dma_semaphore, #tpu.memory_space<semaphore_mem>>)
      %add3A_36 = arith.constant 1 : i32
      %add3A_37 = arith.addi %mul3A_28, %add3A_36 : i32
      %dma_start3A_38 = arith.constant 0 : i32
      %dma_start3A_39 = tpu.memref_slice %arg8[%add3A_37, %dma_start3A_38] : memref<80x128xi32, #tpu.memory_space<vmem>> -> memref<1x128xi32, #tpu.memory_space<vmem>>
      %dma_start3A_40 = tpu.memref_squeeze %dma_start3A_39 : memref<1x128xi32, #tpu.memory_space<vmem>> -> memref<128xi32, #tpu.memory_space<vmem>>
      %dma_start3A_41 = arith.constant 0 : i32
      %dma_start3A_42 = arith.constant 0 : i32
      %dma_start3A_43 = tpu.memref_slice %arg2[%dma_start3A_41, %dma_start3A_42] : memref<10240x128xbf16, #tpu.memory_space<hbm>> -> memref<10240x128xbf16, #tpu.memory_space<hbm>>
      tpu.enqueue_indirect_dma source(%dma_start3A_43 : memref<10240x128xbf16, #tpu.memory_space<hbm>>) target(%arg11 : memref<128x128xbf16, #tpu.memory_space<vmem>>) offsets(%dma_start3A_40 : memref<128xi32, #tpu.memory_space<vmem>>) semaphore(%arg17 : memref<!tpu.dma_semaphore, #tpu.memory_space<semaphore_mem>>)
      %add3A_44 = arith.constant 2 : i32
      %add3A_45 = arith.addi %mul3A_28, %add3A_44 : i32
      %dma_start3A_46 = arith.constant 0 : i32
      %dma_start3A_47 = tpu.memref_slice %arg8[%add3A_45, %dma_start3A_46] : memref<80x128xi32, #tpu.memory_space<vmem>> -> memref<1x128xi32, #tpu.memory_space<vmem>>
      %dma_start3A_48 = tpu.memref_squeeze %dma_start3A_47 : memref<1x128xi32, #tpu.memory_space<vmem>> -> memref<128xi32, #tpu.memory_space<vmem>>
      %dma_start3A_49 = arith.constant 0 : i32
      %dma_start3A_50 = arith.constant 0 : i32
      %dma_start3A_51 = tpu.memref_slice %arg2[%dma_start3A_49, %dma_start3A_50] : memref<10240x128xbf16, #tpu.memory_space<hbm>> -> memref<10240x128xbf16, #tpu.memory_space<hbm>>
      tpu.enqueue_indirect_dma source(%dma_start3A_51 : memref<10240x128xbf16, #tpu.memory_space<hbm>>) target(%arg12 : memref<128x128xbf16, #tpu.memory_space<vmem>>) offsets(%dma_start3A_48 : memref<128xi32, #tpu.memory_space<vmem>>) semaphore(%arg18 : memref<!tpu.dma_semaphore, #tpu.memory_space<semaphore_mem>>)
      %add3A_52 = arith.constant 3 : i32
      %add3A_53 = arith.addi %mul3A_28, %add3A_52 : i32
      %dma_start3A_54 = arith.constant 0 : i32
      %dma_start3A_55 = tpu.memref_slice %arg8[%add3A_53, %dma_start3A_54] : memref<80x128xi32, #tpu.memory_space<vmem>> -> memref<1x128xi32, #tpu.memory_space<vmem>>
      %dma_start3A_56 = tpu.memref_squeeze %dma_start3A_55 : memref<1x128xi32, #tpu.memory_space<vmem>> -> memref<128xi32, #tpu.memory_space<vmem>>
      %dma_start3A_57 = arith.constant 0 : i32
      %dma_start3A_58 = arith.constant 0 : i32
      %dma_start3A_59 = tpu.memref_slice %arg2[%dma_start3A_57, %dma_start3A_58] : memref<10240x128xbf16, #tpu.memory_space<hbm>> -> memref<10240x128xbf16, #tpu.memory_space<hbm>>
      tpu.enqueue_indirect_dma source(%dma_start3A_59 : memref<10240x128xbf16, #tpu.memory_space<hbm>>) target(%arg13 : memref<128x128xbf16, #tpu.memory_space<vmem>>) offsets(%dma_start3A_56 : memref<128xi32, #tpu.memory_space<vmem>>) semaphore(%arg19 : memref<!tpu.dma_semaphore, #tpu.memory_space<semaphore_mem>>)
      %add3A_60 = arith.constant 4 : i32
      %add3A_61 = arith.addi %mul3A_28, %add3A_60 : i32
      %dma_start3A_62 = arith.constant 0 : i32
      %dma_start3A_63 = tpu.memref_slice %arg8[%add3A_61, %dma_start3A_62] : memref<80x128xi32, #tpu.memory_space<vmem>> -> memref<1x128xi32, #tpu.memory_space<vmem>>
      %dma_start3A_64 = tpu.memref_squeeze %dma_start3A_63 : memref<1x128xi32, #tpu.memory_space<vmem>> -> memref<128xi32, #tpu.memory_space<vmem>>
      %dma_start3A_65 = arith.constant 0 : i32
      %dma_start3A_66 = arith.constant 0 : i32
      %dma_start3A_67 = tpu.memref_slice %arg2[%dma_start3A_65, %dma_start3A_66] : memref<10240x128xbf16, #tpu.memory_space<hbm>> -> memref<10240x128xbf16, #tpu.memory_space<hbm>>
      tpu.enqueue_indirect_dma source(%dma_start3A_67 : memref<10240x128xbf16, #tpu.memory_space<hbm>>) target(%arg14 : memref<128x128xbf16, #tpu.memory_space<vmem>>) offsets(%dma_start3A_64 : memref<128xi32, #tpu.memory_space<vmem>>) semaphore(%arg20 : memref<!tpu.dma_semaphore, #tpu.memory_space<semaphore_mem>>)
      %dma_wait3A = arith.constant 0 : i32
      %dma_wait3A_68 = arith.constant 0 : i32
      %dma_wait3A_69 = tpu.memref_slice %arg8[%dma_wait3A, %dma_wait3A_68] : memref<80x128xi32, #tpu.memory_space<vmem>> -> memref<1x128xi32, #tpu.memory_space<vmem>>
      %dma_wait3A_70 = tpu.memref_squeeze %dma_wait3A_69 : memref<1x128xi32, #tpu.memory_space<vmem>> -> memref<128xi32, #tpu.memory_space<vmem>>
      %dma_wait3A_71 = arith.constant 0 : i32
      %dma_wait3A_72 = arith.constant 0 : i32
      %dma_wait3A_73 = tpu.memref_slice %arg2[%dma_wait3A_71, %dma_wait3A_72] : memref<10240x128xbf16, #tpu.memory_space<hbm>> -> memref<10240x128xbf16, #tpu.memory_space<hbm>>
      tpu.wait_indirect_dma semaphore(%arg16 : memref<!tpu.dma_semaphore, #tpu.memory_space<semaphore_mem>>) src(%dma_wait3A_73 : memref<10240x128xbf16, #tpu.memory_space<hbm>>) dst(%arg10 : memref<128x128xbf16, #tpu.memory_space<vmem>>)
      %add3A_74 = arith.constant 0 : i32
      %add3A_75 = arith.addi %mul3A_28, %add3A_74 : i32
      "tpu.region"() ({
        %run_scoped3A = tpu.sem_alloc : memref<!tpu.dma_semaphore, #tpu.memory_space<semaphore_mem>>
        %dma_start3A_231 = arith.constant 0 : i32
        %dma_start3A_232 = tpu.memref_slice %arg9[%add3A_75, %dma_start3A_231] : memref<80x128xi32, #tpu.memory_space<vmem>> -> memref<1x128xi32, #tpu.memory_space<vmem>>
        %dma_start3A_233 = tpu.memref_squeeze %dma_start3A_232 : memref<1x128xi32, #tpu.memory_space<vmem>> -> memref<128xi32, #tpu.memory_space<vmem>>
        %dma_start3A_234 = arith.constant 0 : i32
        %dma_start3A_235 = arith.constant 0 : i32
        %dma_start3A_236 = tpu.memref_slice %arg15[%dma_start3A_234, %dma_start3A_235] : memref<10240x128xbf16, #tpu.memory_space<vmem_shared>> -> memref<10240x128xbf16, #tpu.memory_space<vmem_shared>>
        tpu.enqueue_indirect_dma source(%arg10 : memref<128x128xbf16, #tpu.memory_space<vmem>>) target(%dma_start3A_236 : memref<10240x128xbf16, #tpu.memory_space<vmem_shared>>) offsets(%dma_start3A_233 : memref<128xi32, #tpu.memory_space<vmem>>) semaphore(%run_scoped3A : memref<!tpu.dma_semaphore, #tpu.memory_space<semaphore_mem>>) {add = true}
        %dma_wait3A_237 = arith.constant 0 : i32
        %dma_wait3A_238 = tpu.memref_slice %arg9[%add3A_75, %dma_wait3A_237] : memref<80x128xi32, #tpu.memory_space<vmem>> -> memref<1x128xi32, #tpu.memory_space<vmem>>
        %dma_wait3A_239 = tpu.memref_squeeze %dma_wait3A_238 : memref<1x128xi32, #tpu.memory_space<vmem>> -> memref<128xi32, #tpu.memory_space<vmem>>
        %dma_wait3A_240 = arith.constant 0 : i32
        %dma_wait3A_241 = arith.constant 0 : i32
        %dma_wait3A_242 = tpu.memref_slice %arg15[%dma_wait3A_240, %dma_wait3A_241] : memref<10240x128xbf16, #tpu.memory_space<vmem_shared>> -> memref<10240x128xbf16, #tpu.memory_space<vmem_shared>>
        tpu.wait_indirect_dma semaphore(%run_scoped3A : memref<!tpu.dma_semaphore, #tpu.memory_space<semaphore_mem>>) src(%arg10 : memref<128x128xbf16, #tpu.memory_space<vmem>>) dst(%dma_wait3A_242 : memref<10240x128xbf16, #tpu.memory_space<vmem_shared>>)
        tpu.yield
      }) : () -> ()
      %get3A = arith.index_cast %add3A_75 : i32 to index
      %get3A_76 = arith.constant 0 : index
      %get3A_77 = tpu.vector_load %arg9[%get3A, %get3A_76] {strides = array<i32>} : memref<80x128xi32, #tpu.memory_space<vmem>>, vector<16xi32>,
      tpu.vector_store_idx %arg21[%get3A_77], %broadcast_in_dim3A_14 {add = true} : memref<10240xf32, #tpu.memory_space<vmem>>[vector<16xi32>], vector<16xf32>,
      %get3A_78 = arith.index_cast %add3A_75 : i32 to index
      %get3A_79 = arith.constant 16 : index
      %get3A_80 = tpu.vector_load %arg9[%get3A_78, %get3A_79] {strides = array<i32>} : memref<80x128xi32, #tpu.memory_space<vmem>>, vector<16xi32>,
      tpu.vector_store_idx %arg21[%get3A_80], %broadcast_in_dim3A_14 {add = true} : memref<10240xf32, #tpu.memory_space<vmem>>[vector<16xi32>], vector<16xf32>,
      %get3A_81 = arith.index_cast %add3A_75 : i32 to index
      %get3A_82 = arith.constant 32 : index
      %get3A_83 = tpu.vector_load %arg9[%get3A_81, %get3A_82] {strides = array<i32>} : memref<80x128xi32, #tpu.memory_space<vmem>>, vector<16xi32>,
      tpu.vector_store_idx %arg21[%get3A_83], %broadcast_in_dim3A_14 {add = true} : memref<10240xf32, #tpu.memory_space<vmem>>[vector<16xi32>], vector<16xf32>,
      %get3A_84 = arith.index_cast %add3A_75 : i32 to index
      %get3A_85 = arith.constant 48 : index
      %get3A_86 = tpu.vector_load %arg9[%get3A_84, %get3A_85] {strides = array<i32>} : memref<80x128xi32, #tpu.memory_space<vmem>>, vector<16xi32>,
      tpu.vector_store_idx %arg21[%get3A_86], %broadcast_in_dim3A_14 {add = true} : memref<10240xf32, #tpu.memory_space<vmem>>[vector<16xi32>], vector<16xf32>,
      %get3A_87 = arith.index_cast %add3A_75 : i32 to index
      %get3A_88 = arith.constant 64 : index
      %get3A_89 = tpu.vector_load %arg9[%get3A_87, %get3A_88] {strides = array<i32>} : memref<80x128xi32, #tpu.memory_space<vmem>>, vector<16xi32>,
      tpu.vector_store_idx %arg21[%get3A_89], %broadcast_in_dim3A_14 {add = true} : memref<10240xf32, #tpu.memory_space<vmem>>[vector<16xi32>], vector<16xf32>,
      %get3A_90 = arith.index_cast %add3A_75 : i32 to index
      %get3A_91 = arith.constant 80 : index
      %get3A_92 = tpu.vector_load %arg9[%get3A_90, %get3A_91] {strides = array<i32>} : memref<80x128xi32, #tpu.memory_space<vmem>>, vector<16xi32>,
      tpu.vector_store_idx %arg21[%get3A_92], %broadcast_in_dim3A_14 {add = true} : memref<10240xf32, #tpu.memory_space<vmem>>[vector<16xi32>], vector<16xf32>,
      %get3A_93 = arith.index_cast %add3A_75 : i32 to index
      %get3A_94 = arith.constant 96 : index
      %get3A_95 = tpu.vector_load %arg9[%get3A_93, %get3A_94] {strides = array<i32>} : memref<80x128xi32, #tpu.memory_space<vmem>>, vector<16xi32>,
      tpu.vector_store_idx %arg21[%get3A_95], %broadcast_in_dim3A_14 {add = true} : memref<10240xf32, #tpu.memory_space<vmem>>[vector<16xi32>], vector<16xf32>,
      %get3A_96 = arith.index_cast %add3A_75 : i32 to index
      %get3A_97 = arith.constant 112 : index
      %get3A_98 = tpu.vector_load %arg9[%get3A_96, %get3A_97] {strides = array<i32>} : memref<80x128xi32, #tpu.memory_space<vmem>>, vector<16xi32>,
      tpu.vector_store_idx %arg21[%get3A_98], %broadcast_in_dim3A_14 {add = true} : memref<10240xf32, #tpu.memory_space<vmem>>[vector<16xi32>], vector<16xf32>,
      %dma_wait3A_99 = arith.constant 0 : i32
      %dma_wait3A_100 = arith.constant 0 : i32
      %dma_wait3A_101 = tpu.memref_slice %arg8[%dma_wait3A_99, %dma_wait3A_100] : memref<80x128xi32, #tpu.memory_space<vmem>> -> memref<1x128xi32, #tpu.memory_space<vmem>>
      %dma_wait3A_102 = tpu.memref_squeeze %dma_wait3A_101 : memref<1x128xi32, #tpu.memory_space<vmem>> -> memref<128xi32, #tpu.memory_space<vmem>>
      %dma_wait3A_103 = arith.constant 0 : i32
      %dma_wait3A_104 = arith.constant 0 : i32
      %dma_wait3A_105 = tpu.memref_slice %arg2[%dma_wait3A_103, %dma_wait3A_104] : memref<10240x128xbf16, #tpu.memory_space<hbm>> -> memref<10240x128xbf16, #tpu.memory_space<hbm>>
      tpu.wait_indirect_dma semaphore(%arg17 : memref<!tpu.dma_semaphore, #tpu.memory_space<semaphore_mem>>) src(%dma_wait3A_105 : memref<10240x128xbf16, #tpu.memory_space<hbm>>) dst(%arg11 : memref<128x128xbf16, #tpu.memory_space<vmem>>)
      %add3A_106 = arith.constant 1 : i32
      %add3A_107 = arith.addi %mul3A_28, %add3A_106 : i32
      "tpu.region"() ({
        %run_scoped3A = tpu.sem_alloc : memref<!tpu.dma_semaphore, #tpu.memory_space<semaphore_mem>>
        %dma_start3A_231 = arith.constant 0 : i32
        %dma_start3A_232 = tpu.memref_slice %arg9[%add3A_107, %dma_start3A_231] : memref<80x128xi32, #tpu.memory_space<vmem>> -> memref<1x128xi32, #tpu.memory_space<vmem>>
        %dma_start3A_233 = tpu.memref_squeeze %dma_start3A_232 : memref<1x128xi32, #tpu.memory_space<vmem>> -> memref<128xi32, #tpu.memory_space<vmem>>
        %dma_start3A_234 = arith.constant 0 : i32
        %dma_start3A_235 = arith.constant 0 : i32
        %dma_start3A_236 = tpu.memref_slice %arg15[%dma_start3A_234, %dma_start3A_235] : memref<10240x128xbf16, #tpu.memory_space<vmem_shared>> -> memref<10240x128xbf16, #tpu.memory_space<vmem_shared>>
        tpu.enqueue_indirect_dma source(%arg11 : memref<128x128xbf16, #tpu.memory_space<vmem>>) target(%dma_start3A_236 : memref<10240x128xbf16, #tpu.memory_space<vmem_shared>>) offsets(%dma_start3A_233 : memref<128xi32, #tpu.memory_space<vmem>>) semaphore(%run_scoped3A : memref<!tpu.dma_semaphore, #tpu.memory_space<semaphore_mem>>) {add = true}
        %dma_wait3A_237 = arith.constant 0 : i32
        %dma_wait3A_238 = tpu.memref_slice %arg9[%add3A_107, %dma_wait3A_237] : memref<80x128xi32, #tpu.memory_space<vmem>> -> memref<1x128xi32, #tpu.memory_space<vmem>>
        %dma_wait3A_239 = tpu.memref_squeeze %dma_wait3A_238 : memref<1x128xi32, #tpu.memory_space<vmem>> -> memref<128xi32, #tpu.memory_space<vmem>>
        %dma_wait3A_240 = arith.constant 0 : i32
        %dma_wait3A_241 = arith.constant 0 : i32
        %dma_wait3A_242 = tpu.memref_slice %arg15[%dma_wait3A_240, %dma_wait3A_241] : memref<10240x128xbf16, #tpu.memory_space<vmem_shared>> -> memref<10240x128xbf16, #tpu.memory_space<vmem_shared>>
        tpu.wait_indirect_dma semaphore(%run_scoped3A : memref<!tpu.dma_semaphore, #tpu.memory_space<semaphore_mem>>) src(%arg11 : memref<128x128xbf16, #tpu.memory_space<vmem>>) dst(%dma_wait3A_242 : memref<10240x128xbf16, #tpu.memory_space<vmem_shared>>)
        tpu.yield
      }) : () -> ()
      %get3A_108 = arith.index_cast %add3A_107 : i32 to index
      %get3A_109 = arith.constant 0 : index
      %get3A_110 = tpu.vector_load %arg9[%get3A_108, %get3A_109] {strides = array<i32>} : memref<80x128xi32, #tpu.memory_space<vmem>>, vector<16xi32>,
      tpu.vector_store_idx %arg21[%get3A_110], %broadcast_in_dim3A_14 {add = true} : memref<10240xf32, #tpu.memory_space<vmem>>[vector<16xi32>], vector<16xf32>,
      %get3A_111 = arith.index_cast %add3A_107 : i32 to index
      %get3A_112 = arith.constant 16 : index
      %get3A_113 = tpu.vector_load %arg9[%get3A_111, %get3A_112] {strides = array<i32>} : memref<80x128xi32, #tpu.memory_space<vmem>>, vector<16xi32>,
      tpu.vector_store_idx %arg21[%get3A_113], %broadcast_in_dim3A_14 {add = true} : memref<10240xf32, #tpu.memory_space<vmem>>[vector<16xi32>], vector<16xf32>,
      %get3A_114 = arith.index_cast %add3A_107 : i32 to index
      %get3A_115 = arith.constant 32 : index
      %get3A_116 = tpu.vector_load %arg9[%get3A_114, %get3A_115] {strides = array<i32>} : memref<80x128xi32, #tpu.memory_space<vmem>>, vector<16xi32>,
      tpu.vector_store_idx %arg21[%get3A_116], %broadcast_in_dim3A_14 {add = true} : memref<10240xf32, #tpu.memory_space<vmem>>[vector<16xi32>], vector<16xf32>,
      %get3A_117 = arith.index_cast %add3A_107 : i32 to index
      %get3A_118 = arith.constant 48 : index
      %get3A_119 = tpu.vector_load %arg9[%get3A_117, %get3A_118] {strides = array<i32>} : memref<80x128xi32, #tpu.memory_space<vmem>>, vector<16xi32>,
      tpu.vector_store_idx %arg21[%get3A_119], %broadcast_in_dim3A_14 {add = true} : memref<10240xf32, #tpu.memory_space<vmem>>[vector<16xi32>], vector<16xf32>,
      %get3A_120 = arith.index_cast %add3A_107 : i32 to index
      %get3A_121 = arith.constant 64 : index
      %get3A_122 = tpu.vector_load %arg9[%get3A_120, %get3A_121] {strides = array<i32>} : memref<80x128xi32, #tpu.memory_space<vmem>>, vector<16xi32>,
      tpu.vector_store_idx %arg21[%get3A_122], %broadcast_in_dim3A_14 {add = true} : memref<10240xf32, #tpu.memory_space<vmem>>[vector<16xi32>], vector<16xf32>,
      %get3A_123 = arith.index_cast %add3A_107 : i32 to index
      %get3A_124 = arith.constant 80 : index
      %get3A_125 = tpu.vector_load %arg9[%get3A_123, %get3A_124] {strides = array<i32>} : memref<80x128xi32, #tpu.memory_space<vmem>>, vector<16xi32>,
      tpu.vector_store_idx %arg21[%get3A_125], %broadcast_in_dim3A_14 {add = true} : memref<10240xf32, #tpu.memory_space<vmem>>[vector<16xi32>], vector<16xf32>,
      %get3A_126 = arith.index_cast %add3A_107 : i32 to index
      %get3A_127 = arith.constant 96 : index
      %get3A_128 = tpu.vector_load %arg9[%get3A_126, %get3A_127] {strides = array<i32>} : memref<80x128xi32, #tpu.memory_space<vmem>>, vector<16xi32>,
      tpu.vector_store_idx %arg21[%get3A_128], %broadcast_in_dim3A_14 {add = true} : memref<10240xf32, #tpu.memory_space<vmem>>[vector<16xi32>], vector<16xf32>,
      %get3A_129 = arith.index_cast %add3A_107 : i32 to index
      %get3A_130 = arith.constant 112 : index
      %get3A_131 = tpu.vector_load %arg9[%get3A_129, %get3A_130] {strides = array<i32>} : memref<80x128xi32, #tpu.memory_space<vmem>>, vector<16xi32>,
      tpu.vector_store_idx %arg21[%get3A_131], %broadcast_in_dim3A_14 {add = true} : memref<10240xf32, #tpu.memory_space<vmem>>[vector<16xi32>], vector<16xf32>,
      %dma_wait3A_132 = arith.constant 0 : i32
      %dma_wait3A_133 = arith.constant 0 : i32
      %dma_wait3A_134 = tpu.memref_slice %arg8[%dma_wait3A_132, %dma_wait3A_133] : memref<80x128xi32, #tpu.memory_space<vmem>> -> memref<1x128xi32, #tpu.memory_space<vmem>>
      %dma_wait3A_135 = tpu.memref_squeeze %dma_wait3A_134 : memref<1x128xi32, #tpu.memory_space<vmem>> -> memref<128xi32, #tpu.memory_space<vmem>>
      %dma_wait3A_136 = arith.constant 0 : i32
      %dma_wait3A_137 = arith.constant 0 : i32
      %dma_wait3A_138 = tpu.memref_slice %arg2[%dma_wait3A_136, %dma_wait3A_137] : memref<10240x128xbf16, #tpu.memory_space<hbm>> -> memref<10240x128xbf16, #tpu.memory_space<hbm>>
      tpu.wait_indirect_dma semaphore(%arg18 : memref<!tpu.dma_semaphore, #tpu.memory_space<semaphore_mem>>) src(%dma_wait3A_138 : memref<10240x128xbf16, #tpu.memory_space<hbm>>) dst(%arg12 : memref<128x128xbf16, #tpu.memory_space<vmem>>)
      %add3A_139 = arith.constant 2 : i32
      %add3A_140 = arith.addi %mul3A_28, %add3A_139 : i32
      "tpu.region"() ({
        %run_scoped3A = tpu.sem_alloc : memref<!tpu.dma_semaphore, #tpu.memory_space<semaphore_mem>>
        %dma_start3A_231 = arith.constant 0 : i32
        %dma_start3A_232 = tpu.memref_slice %arg9[%add3A_140, %dma_start3A_231] : memref<80x128xi32, #tpu.memory_space<vmem>> -> memref<1x128xi32, #tpu.memory_space<vmem>>
        %dma_start3A_233 = tpu.memref_squeeze %dma_start3A_232 : memref<1x128xi32, #tpu.memory_space<vmem>> -> memref<128xi32, #tpu.memory_space<vmem>>
        %dma_start3A_234 = arith.constant 0 : i32
        %dma_start3A_235 = arith.constant 0 : i32
        %dma_start3A_236 = tpu.memref_slice %arg15[%dma_start3A_234, %dma_start3A_235] : memref<10240x128xbf16, #tpu.memory_space<vmem_shared>> -> memref<10240x128xbf16, #tpu.memory_space<vmem_shared>>
        tpu.enqueue_indirect_dma source(%arg12 : memref<128x128xbf16, #tpu.memory_space<vmem>>) target(%dma_start3A_236 : memref<10240x128xbf16, #tpu.memory_space<vmem_shared>>) offsets(%dma_start3A_233 : memref<128xi32, #tpu.memory_space<vmem>>) semaphore(%run_scoped3A : memref<!tpu.dma_semaphore, #tpu.memory_space<semaphore_mem>>) {add = true}
        %dma_wait3A_237 = arith.constant 0 : i32
        %dma_wait3A_238 = tpu.memref_slice %arg9[%add3A_140, %dma_wait3A_237] : memref<80x128xi32, #tpu.memory_space<vmem>> -> memref<1x128xi32, #tpu.memory_space<vmem>>
        %dma_wait3A_239 = tpu.memref_squeeze %dma_wait3A_238 : memref<1x128xi32, #tpu.memory_space<vmem>> -> memref<128xi32, #tpu.memory_space<vmem>>
        %dma_wait3A_240 = arith.constant 0 : i32
        %dma_wait3A_241 = arith.constant 0 : i32
        %dma_wait3A_242 = tpu.memref_slice %arg15[%dma_wait3A_240, %dma_wait3A_241] : memref<10240x128xbf16, #tpu.memory_space<vmem_shared>> -> memref<10240x128xbf16, #tpu.memory_space<vmem_shared>>
        tpu.wait_indirect_dma semaphore(%run_scoped3A : memref<!tpu.dma_semaphore, #tpu.memory_space<semaphore_mem>>) src(%arg12 : memref<128x128xbf16, #tpu.memory_space<vmem>>) dst(%dma_wait3A_242 : memref<10240x128xbf16, #tpu.memory_space<vmem_shared>>)
        tpu.yield
      }) : () -> ()
      %get3A_141 = arith.index_cast %add3A_140 : i32 to index
      %get3A_142 = arith.constant 0 : index
      %get3A_143 = tpu.vector_load %arg9[%get3A_141, %get3A_142] {strides = array<i32>} : memref<80x128xi32, #tpu.memory_space<vmem>>, vector<16xi32>,
      tpu.vector_store_idx %arg21[%get3A_143], %broadcast_in_dim3A_14 {add = true} : memref<10240xf32, #tpu.memory_space<vmem>>[vector<16xi32>], vector<16xf32>,
      %get3A_144 = arith.index_cast %add3A_140 : i32 to index
      %get3A_145 = arith.constant 16 : index
      %get3A_146 = tpu.vector_load %arg9[%get3A_144, %get3A_145] {strides = array<i32>} : memref<80x128xi32, #tpu.memory_space<vmem>>, vector<16xi32>,
      tpu.vector_store_idx %arg21[%get3A_146], %broadcast_in_dim3A_14 {add = true} : memref<10240xf32, #tpu.memory_space<vmem>>[vector<16xi32>], vector<16xf32>,
      %get3A_147 = arith.index_cast %add3A_140 : i32 to index
      %get3A_148 = arith.constant 32 : index
      %get3A_149 = tpu.vector_load %arg9[%get3A_147, %get3A_148] {strides = array<i32>} : memref<80x128xi32, #tpu.memory_space<vmem>>, vector<16xi32>,
      tpu.vector_store_idx %arg21[%get3A_149], %broadcast_in_dim3A_14 {add = true} : memref<10240xf32, #tpu.memory_space<vmem>>[vector<16xi32>], vector<16xf32>,
      %get3A_150 = arith.index_cast %add3A_140 : i32 to index
      %get3A_151 = arith.constant 48 : index
      %get3A_152 = tpu.vector_load %arg9[%get3A_150, %get3A_151] {strides = array<i32>} : memref<80x128xi32, #tpu.memory_space<vmem>>, vector<16xi32>,
      tpu.vector_store_idx %arg21[%get3A_152], %broadcast_in_dim3A_14 {add = true} : memref<10240xf32, #tpu.memory_space<vmem>>[vector<16xi32>], vector<16xf32>,
      %get3A_153 = arith.index_cast %add3A_140 : i32 to index
      %get3A_154 = arith.constant 64 : index
      %get3A_155 = tpu.vector_load %arg9[%get3A_153, %get3A_154] {strides = array<i32>} : memref<80x128xi32, #tpu.memory_space<vmem>>, vector<16xi32>,
      tpu.vector_store_idx %arg21[%get3A_155], %broadcast_in_dim3A_14 {add = true} : memref<10240xf32, #tpu.memory_space<vmem>>[vector<16xi32>], vector<16xf32>,
      %get3A_156 = arith.index_cast %add3A_140 : i32 to index
      %get3A_157 = arith.constant 80 : index
      %get3A_158 = tpu.vector_load %arg9[%get3A_156, %get3A_157] {strides = array<i32>} : memref<80x128xi32, #tpu.memory_space<vmem>>, vector<16xi32>,
      tpu.vector_store_idx %arg21[%get3A_158], %broadcast_in_dim3A_14 {add = true} : memref<10240xf32, #tpu.memory_space<vmem>>[vector<16xi32>], vector<16xf32>,
      %get3A_159 = arith.index_cast %add3A_140 : i32 to index
      %get3A_160 = arith.constant 96 : index
      %get3A_161 = tpu.vector_load %arg9[%get3A_159, %get3A_160] {strides = array<i32>} : memref<80x128xi32, #tpu.memory_space<vmem>>, vector<16xi32>,
      tpu.vector_store_idx %arg21[%get3A_161], %broadcast_in_dim3A_14 {add = true} : memref<10240xf32, #tpu.memory_space<vmem>>[vector<16xi32>], vector<16xf32>,
      %get3A_162 = arith.index_cast %add3A_140 : i32 to index
      %get3A_163 = arith.constant 112 : index
      %get3A_164 = tpu.vector_load %arg9[%get3A_162, %get3A_163] {strides = array<i32>} : memref<80x128xi32, #tpu.memory_space<vmem>>, vector<16xi32>,
      tpu.vector_store_idx %arg21[%get3A_164], %broadcast_in_dim3A_14 {add = true} : memref<10240xf32, #tpu.memory_space<vmem>>[vector<16xi32>], vector<16xf32>,
      %dma_wait3A_165 = arith.constant 0 : i32
      %dma_wait3A_166 = arith.constant 0 : i32
      %dma_wait3A_167 = tpu.memref_slice %arg8[%dma_wait3A_165, %dma_wait3A_166] : memref<80x128xi32, #tpu.memory_space<vmem>> -> memref<1x128xi32, #tpu.memory_space<vmem>>
      %dma_wait3A_168 = tpu.memref_squeeze %dma_wait3A_167 : memref<1x128xi32, #tpu.memory_space<vmem>> -> memref<128xi32, #tpu.memory_space<vmem>>
      %dma_wait3A_169 = arith.constant 0 : i32
      %dma_wait3A_170 = arith.constant 0 : i32
      %dma_wait3A_171 = tpu.memref_slice %arg2[%dma_wait3A_169, %dma_wait3A_170] : memref<10240x128xbf16, #tpu.memory_space<hbm>> -> memref<10240x128xbf16, #tpu.memory_space<hbm>>
      tpu.wait_indirect_dma semaphore(%arg19 : memref<!tpu.dma_semaphore, #tpu.memory_space<semaphore_mem>>) src(%dma_wait3A_171 : memref<10240x128xbf16, #tpu.memory_space<hbm>>) dst(%arg13 : memref<128x128xbf16, #tpu.memory_space<vmem>>)
      %add3A_172 = arith.constant 3 : i32
      %add3A_173 = arith.addi %mul3A_28, %add3A_172 : i32
      "tpu.region"() ({
        %run_scoped3A = tpu.sem_alloc : memref<!tpu.dma_semaphore, #tpu.memory_space<semaphore_mem>>
        %dma_start3A_231 = arith.constant 0 : i32
        %dma_start3A_232 = tpu.memref_slice %arg9[%add3A_173, %dma_start3A_231] : memref<80x128xi32, #tpu.memory_space<vmem>> -> memref<1x128xi32, #tpu.memory_space<vmem>>
        %dma_start3A_233 = tpu.memref_squeeze %dma_start3A_232 : memref<1x128xi32, #tpu.memory_space<vmem>> -> memref<128xi32, #tpu.memory_space<vmem>>
        %dma_start3A_234 = arith.constant 0 : i32
        %dma_start3A_235 = arith.constant 0 : i32
        %dma_start3A_236 = tpu.memref_slice %arg15[%dma_start3A_234, %dma_start3A_235] : memref<10240x128xbf16, #tpu.memory_space<vmem_shared>> -> memref<10240x128xbf16, #tpu.memory_space<vmem_shared>>
        tpu.enqueue_indirect_dma source(%arg13 : memref<128x128xbf16, #tpu.memory_space<vmem>>) target(%dma_start3A_236 : memref<10240x128xbf16, #tpu.memory_space<vmem_shared>>) offsets(%dma_start3A_233 : memref<128xi32, #tpu.memory_space<vmem>>) semaphore(%run_scoped3A : memref<!tpu.dma_semaphore, #tpu.memory_space<semaphore_mem>>) {add = true}
        %dma_wait3A_237 = arith.constant 0 : i32
        %dma_wait3A_238 = tpu.memref_slice %arg9[%add3A_173, %dma_wait3A_237] : memref<80x128xi32, #tpu.memory_space<vmem>> -> memref<1x128xi32, #tpu.memory_space<vmem>>
        %dma_wait3A_239 = tpu.memref_squeeze %dma_wait3A_238 : memref<1x128xi32, #tpu.memory_space<vmem>> -> memref<128xi32, #tpu.memory_space<vmem>>
        %dma_wait3A_240 = arith.constant 0 : i32
        %dma_wait3A_241 = arith.constant 0 : i32
        %dma_wait3A_242 = tpu.memref_slice %arg15[%dma_wait3A_240, %dma_wait3A_241] : memref<10240x128xbf16, #tpu.memory_space<vmem_shared>> -> memref<10240x128xbf16, #tpu.memory_space<vmem_shared>>
        tpu.wait_indirect_dma semaphore(%run_scoped3A : memref<!tpu.dma_semaphore, #tpu.memory_space<semaphore_mem>>) src(%arg13 : memref<128x128xbf16, #tpu.memory_space<vmem>>) dst(%dma_wait3A_242 : memref<10240x128xbf16, #tpu.memory_space<vmem_shared>>)
        tpu.yield
      }) : () -> ()
      %get3A_174 = arith.index_cast %add3A_173 : i32 to index
      %get3A_175 = arith.constant 0 : index
      %get3A_176 = tpu.vector_load %arg9[%get3A_174, %get3A_175] {strides = array<i32>} : memref<80x128xi32, #tpu.memory_space<vmem>>, vector<16xi32>,
      tpu.vector_store_idx %arg21[%get3A_176], %broadcast_in_dim3A_14 {add = true} : memref<10240xf32, #tpu.memory_space<vmem>>[vector<16xi32>], vector<16xf32>,
      %get3A_177 = arith.index_cast %add3A_173 : i32 to index
      %get3A_178 = arith.constant 16 : index
      %get3A_179 = tpu.vector_load %arg9[%get3A_177, %get3A_178] {strides = array<i32>} : memref<80x128xi32, #tpu.memory_space<vmem>>, vector<16xi32>,
      tpu.vector_store_idx %arg21[%get3A_179], %broadcast_in_dim3A_14 {add = true} : memref<10240xf32, #tpu.memory_space<vmem>>[vector<16xi32>], vector<16xf32>,
      %get3A_180 = arith.index_cast %add3A_173 : i32 to index
      %get3A_181 = arith.constant 32 : index
      %get3A_182 = tpu.vector_load %arg9[%get3A_180, %get3A_181] {strides = array<i32>} : memref<80x128xi32, #tpu.memory_space<vmem>>, vector<16xi32>,
      tpu.vector_store_idx %arg21[%get3A_182], %broadcast_in_dim3A_14 {add = true} : memref<10240xf32, #tpu.memory_space<vmem>>[vector<16xi32>], vector<16xf32>,
      %get3A_183 = arith.index_cast %add3A_173 : i32 to index
      %get3A_184 = arith.constant 48 : index
      %get3A_185 = tpu.vector_load %arg9[%get3A_183, %get3A_184] {strides = array<i32>} : memref<80x128xi32, #tpu.memory_space<vmem>>, vector<16xi32>,
      tpu.vector_store_idx %arg21[%get3A_185], %broadcast_in_dim3A_14 {add = true} : memref<10240xf32, #tpu.memory_space<vmem>>[vector<16xi32>], vector<16xf32>,
      %get3A_186 = arith.index_cast %add3A_173 : i32 to index
      %get3A_187 = arith.constant 64 : index
      %get3A_188 = tpu.vector_load %arg9[%get3A_186, %get3A_187] {strides = array<i32>} : memref<80x128xi32, #tpu.memory_space<vmem>>, vector<16xi32>,
      tpu.vector_store_idx %arg21[%get3A_188], %broadcast_in_dim3A_14 {add = true} : memref<10240xf32, #tpu.memory_space<vmem>>[vector<16xi32>], vector<16xf32>,
      %get3A_189 = arith.index_cast %add3A_173 : i32 to index
      %get3A_190 = arith.constant 80 : index
      %get3A_191 = tpu.vector_load %arg9[%get3A_189, %get3A_190] {strides = array<i32>} : memref<80x128xi32, #tpu.memory_space<vmem>>, vector<16xi32>,
      tpu.vector_store_idx %arg21[%get3A_191], %broadcast_in_dim3A_14 {add = true} : memref<10240xf32, #tpu.memory_space<vmem>>[vector<16xi32>], vector<16xf32>,
      %get3A_192 = arith.index_cast %add3A_173 : i32 to index
      %get3A_193 = arith.constant 96 : index
      %get3A_194 = tpu.vector_load %arg9[%get3A_192, %get3A_193] {strides = array<i32>} : memref<80x128xi32, #tpu.memory_space<vmem>>, vector<16xi32>,
      tpu.vector_store_idx %arg21[%get3A_194], %broadcast_in_dim3A_14 {add = true} : memref<10240xf32, #tpu.memory_space<vmem>>[vector<16xi32>], vector<16xf32>,
      %get3A_195 = arith.index_cast %add3A_173 : i32 to index
      %get3A_196 = arith.constant 112 : index
      %get3A_197 = tpu.vector_load %arg9[%get3A_195, %get3A_196] {strides = array<i32>} : memref<80x128xi32, #tpu.memory_space<vmem>>, vector<16xi32>,
      tpu.vector_store_idx %arg21[%get3A_197], %broadcast_in_dim3A_14 {add = true} : memref<10240xf32, #tpu.memory_space<vmem>>[vector<16xi32>], vector<16xf32>,
      %dma_wait3A_198 = arith.constant 0 : i32
      %dma_wait3A_199 = arith.constant 0 : i32
      %dma_wait3A_200 = tpu.memref_slice %arg8[%dma_wait3A_198, %dma_wait3A_199] : memref<80x128xi32, #tpu.memory_space<vmem>> -> memref<1x128xi32, #tpu.memory_space<vmem>>
      %dma_wait3A_201 = tpu.memref_squeeze %dma_wait3A_200 : memref<1x128xi32, #tpu.memory_space<vmem>> -> memref<128xi32, #tpu.memory_space<vmem>>
      %dma_wait3A_202 = arith.constant 0 : i32
      %dma_wait3A_203 = arith.constant 0 : i32
      %dma_wait3A_204 = tpu.memref_slice %arg2[%dma_wait3A_202, %dma_wait3A_203] : memref<10240x128xbf16, #tpu.memory_space<hbm>> -> memref<10240x128xbf16, #tpu.memory_space<hbm>>
      tpu.wait_indirect_dma semaphore(%arg20 : memref<!tpu.dma_semaphore, #tpu.memory_space<semaphore_mem>>) src(%dma_wait3A_204 : memref<10240x128xbf16, #tpu.memory_space<hbm>>) dst(%arg14 : memref<128x128xbf16, #tpu.memory_space<vmem>>)
      %add3A_205 = arith.constant 4 : i32
      %add3A_206 = arith.addi %mul3A_28, %add3A_205 : i32
      "tpu.region"() ({
        %run_scoped3A = tpu.sem_alloc : memref<!tpu.dma_semaphore, #tpu.memory_space<semaphore_mem>>
        %dma_start3A_231 = arith.constant 0 : i32
        %dma_start3A_232 = tpu.memref_slice %arg9[%add3A_206, %dma_start3A_231] : memref<80x128xi32, #tpu.memory_space<vmem>> -> memref<1x128xi32, #tpu.memory_space<vmem>>
        %dma_start3A_233 = tpu.memref_squeeze %dma_start3A_232 : memref<1x128xi32, #tpu.memory_space<vmem>> -> memref<128xi32, #tpu.memory_space<vmem>>
        %dma_start3A_234 = arith.constant 0 : i32
        %dma_start3A_235 = arith.constant 0 : i32
        %dma_start3A_236 = tpu.memref_slice %arg15[%dma_start3A_234, %dma_start3A_235] : memref<10240x128xbf16, #tpu.memory_space<vmem_shared>> -> memref<10240x128xbf16, #tpu.memory_space<vmem_shared>>
        tpu.enqueue_indirect_dma source(%arg14 : memref<128x128xbf16, #tpu.memory_space<vmem>>) target(%dma_start3A_236 : memref<10240x128xbf16, #tpu.memory_space<vmem_shared>>) offsets(%dma_start3A_233 : memref<128xi32, #tpu.memory_space<vmem>>) semaphore(%run_scoped3A : memref<!tpu.dma_semaphore, #tpu.memory_space<semaphore_mem>>) {add = true}
        %dma_wait3A_237 = arith.constant 0 : i32
        %dma_wait3A_238 = tpu.memref_slice %arg9[%add3A_206, %dma_wait3A_237] : memref<80x128xi32, #tpu.memory_space<vmem>> -> memref<1x128xi32, #tpu.memory_space<vmem>>
        %dma_wait3A_239 = tpu.memref_squeeze %dma_wait3A_238 : memref<1x128xi32, #tpu.memory_space<vmem>> -> memref<128xi32, #tpu.memory_space<vmem>>
        %dma_wait3A_240 = arith.constant 0 : i32
        %dma_wait3A_241 = arith.constant 0 : i32
        %dma_wait3A_242 = tpu.memref_slice %arg15[%dma_wait3A_240, %dma_wait3A_241] : memref<10240x128xbf16, #tpu.memory_space<vmem_shared>> -> memref<10240x128xbf16, #tpu.memory_space<vmem_shared>>
        tpu.wait_indirect_dma semaphore(%run_scoped3A : memref<!tpu.dma_semaphore, #tpu.memory_space<semaphore_mem>>) src(%arg14 : memref<128x128xbf16, #tpu.memory_space<vmem>>) dst(%dma_wait3A_242 : memref<10240x128xbf16, #tpu.memory_space<vmem_shared>>)
        tpu.yield
      }) : () -> ()
      %get3A_207 = arith.index_cast %add3A_206 : i32 to index
      %get3A_208 = arith.constant 0 : index
      %get3A_209 = tpu.vector_load %arg9[%get3A_207, %get3A_208] {strides = array<i32>} : memref<80x128xi32, #tpu.memory_space<vmem>>, vector<16xi32>,
      tpu.vector_store_idx %arg21[%get3A_209], %broadcast_in_dim3A_14 {add = true} : memref<10240xf32, #tpu.memory_space<vmem>>[vector<16xi32>], vector<16xf32>,
      %get3A_210 = arith.index_cast %add3A_206 : i32 to index
      %get3A_211 = arith.constant 16 : index
      %get3A_212 = tpu.vector_load %arg9[%get3A_210, %get3A_211] {strides = array<i32>} : memref<80x128xi32, #tpu.memory_space<vmem>>, vector<16xi32>,
      tpu.vector_store_idx %arg21[%get3A_212], %broadcast_in_dim3A_14 {add = true} : memref<10240xf32, #tpu.memory_space<vmem>>[vector<16xi32>], vector<16xf32>,
      %get3A_213 = arith.index_cast %add3A_206 : i32 to index
      %get3A_214 = arith.constant 32 : index
      %get3A_215 = tpu.vector_load %arg9[%get3A_213, %get3A_214] {strides = array<i32>} : memref<80x128xi32, #tpu.memory_space<vmem>>, vector<16xi32>,
      tpu.vector_store_idx %arg21[%get3A_215], %broadcast_in_dim3A_14 {add = true} : memref<10240xf32, #tpu.memory_space<vmem>>[vector<16xi32>], vector<16xf32>,
      %get3A_216 = arith.index_cast %add3A_206 : i32 to index
      %get3A_217 = arith.constant 48 : index
      %get3A_218 = tpu.vector_load %arg9[%get3A_216, %get3A_217] {strides = array<i32>} : memref<80x128xi32, #tpu.memory_space<vmem>>, vector<16xi32>,
      tpu.vector_store_idx %arg21[%get3A_218], %broadcast_in_dim3A_14 {add = true} : memref<10240xf32, #tpu.memory_space<vmem>>[vector<16xi32>], vector<16xf32>,
      %get3A_219 = arith.index_cast %add3A_206 : i32 to index
      %get3A_220 = arith.constant 64 : index
      %get3A_221 = tpu.vector_load %arg9[%get3A_219, %get3A_220] {strides = array<i32>} : memref<80x128xi32, #tpu.memory_space<vmem>>, vector<16xi32>,
      tpu.vector_store_idx %arg21[%get3A_221], %broadcast_in_dim3A_14 {add = true} : memref<10240xf32, #tpu.memory_space<vmem>>[vector<16xi32>], vector<16xf32>,
      %get3A_222 = arith.index_cast %add3A_206 : i32 to index
      %get3A_223 = arith.constant 80 : index
      %get3A_224 = tpu.vector_load %arg9[%get3A_222, %get3A_223] {strides = array<i32>} : memref<80x128xi32, #tpu.memory_space<vmem>>, vector<16xi32>,
      tpu.vector_store_idx %arg21[%get3A_224], %broadcast_in_dim3A_14 {add = true} : memref<10240xf32, #tpu.memory_space<vmem>>[vector<16xi32>], vector<16xf32>,
      %get3A_225 = arith.index_cast %add3A_206 : i32 to index
      %get3A_226 = arith.constant 96 : index
      %get3A_227 = tpu.vector_load %arg9[%get3A_225, %get3A_226] {strides = array<i32>} : memref<80x128xi32, #tpu.memory_space<vmem>>, vector<16xi32>,
      tpu.vector_store_idx %arg21[%get3A_227], %broadcast_in_dim3A_14 {add = true} : memref<10240xf32, #tpu.memory_space<vmem>>[vector<16xi32>], vector<16xf32>,
      %get3A_228 = arith.index_cast %add3A_206 : i32 to index
      %get3A_229 = arith.constant 112 : index
      %get3A_230 = tpu.vector_load %arg9[%get3A_228, %get3A_229] {strides = array<i32>} : memref<80x128xi32, #tpu.memory_space<vmem>>, vector<16xi32>,
      tpu.vector_store_idx %arg21[%get3A_230], %broadcast_in_dim3A_14 {add = true} : memref<10240xf32, #tpu.memory_space<vmem>>[vector<16xi32>], vector<16xf32>,
    }
    %scan3A_20 = arith.constant 16 : i32
    %barrier3A_21 = arith.constant 0 : index
    tpu.barrier barrier_id(%barrier3A_21)
    %mul3A_22 = arith.constant 640 : i32
    %mul3A_23 = arith.muli %arg1, %mul3A_22 : i32
    %mul3A_24 = arith.constant 640 : i32
    %mul3A_25 = arith.muli %arg1, %mul3A_24 : i32
    "tpu.region"() ({
      %run_scoped3A = tpu.sem_alloc : memref<!tpu.dma_semaphore, #tpu.memory_space<semaphore_mem>>
      %dma_start3A = arith.constant 0 : i32
      %dma_start3A_26 = tpu.memref_slice %arg6[%arg0, %mul3A_25, %dma_start3A] : memref<2x10240x128xbf16, #tpu.memory_space<hbm>> -> memref<1x640x128xbf16, #tpu.memory_space<hbm>>
      %dma_start3A_27 = tpu.memref_squeeze %dma_start3A_26 : memref<1x640x128xbf16, #tpu.memory_space<hbm>> -> memref<640x128xbf16, #tpu.memory_space<hbm>>
      %dma_start3A_28 = arith.constant 0 : i32
      %dma_start3A_29 = tpu.memref_slice %arg15[%mul3A_23, %dma_start3A_28] : memref<10240x128xbf16, #tpu.memory_space<vmem_shared>> -> memref<640x128xbf16, #tpu.memory_space<vmem_shared>>
      tpu.enqueue_dma source(%dma_start3A_29 : memref<640x128xbf16, #tpu.memory_space<vmem_shared>>) target(%dma_start3A_27 : memref<640x128xbf16, #tpu.memory_space<hbm>>) target_semaphore(%run_scoped3A : memref<!tpu.dma_semaphore, #tpu.memory_space<semaphore_mem>>)
      %dma_wait3A = arith.constant 0 : i32
      %dma_wait3A_30 = tpu.memref_slice %arg6[%arg0, %mul3A_25, %dma_wait3A] : memref<2x10240x128xbf16, #tpu.memory_space<hbm>> -> memref<1x640x128xbf16, #tpu.memory_space<hbm>>
      %dma_wait3A_31 = tpu.memref_squeeze %dma_wait3A_30 : memref<1x640x128xbf16, #tpu.memory_space<hbm>> -> memref<640x128xbf16, #tpu.memory_space<hbm>>
      %dma_wait3A_32 = arith.constant 0 : i32
      %dma_wait3A_33 = tpu.memref_slice %arg15[%mul3A_23, %dma_wait3A_32] : memref<10240x128xbf16, #tpu.memory_space<vmem_shared>> -> memref<640x128xbf16, #tpu.memory_space<vmem_shared>>
      tpu.wait_dma2 semaphore(%run_scoped3A : memref<!tpu.dma_semaphore, #tpu.memory_space<semaphore_mem>>) src(%dma_wait3A_33 : memref<640x128xbf16, #tpu.memory_space<vmem_shared>>) dst(%dma_wait3A_31 : memref<640x128xbf16, #tpu.memory_space<hbm>>)
      tpu.yield
    }) : () -> ()
    "tpu.region"() ({
      %run_scoped3A = tpu.sem_alloc : memref<!tpu.dma_semaphore, #tpu.memory_space<semaphore_mem>>
      %dma_start3A = arith.constant 0 : i32
      %dma_start3A_26 = tpu.memref_slice %arg7[%add3A, %dma_start3A] : memref<32x10240xf32, #tpu.memory_space<hbm>> -> memref<1x10240xf32, #tpu.memory_space<hbm>>
      %dma_start3A_27 = tpu.memref_squeeze %dma_start3A_26 : memref<1x10240xf32, #tpu.memory_space<hbm>> -> memref<10240xf32, #tpu.memory_space<hbm>>
      %dma_start3A_28 = arith.constant 0 : i32
      %dma_start3A_29 = tpu.memref_slice %arg7[%add3A, %dma_start3A_28] : memref<32x10240xf32, #tpu.memory_space<hbm>> -> memref<1x10240xf32, #tpu.memory_space<hbm>>
      %dma_start3A_30 = tpu.memref_squeeze %dma_start3A_29 : memref<1x10240xf32, #tpu.memory_space<hbm>> -> memref<10240xf32, #tpu.memory_space<hbm>>
      tpu.enqueue_dma source(%arg21 : memref<10240xf32, #tpu.memory_space<vmem>>) target(%dma_start3A_30 : memref<10240xf32, #tpu.memory_space<hbm>>) target_semaphore(%run_scoped3A : memref<!tpu.dma_semaphore, #tpu.memory_space<semaphore_mem>>)
      %dma_wait3A = arith.constant 0 : i32
      %dma_wait3A_31 = tpu.memref_slice %arg7[%add3A, %dma_wait3A] : memref<32x10240xf32, #tpu.memory_space<hbm>> -> memref<1x10240xf32, #tpu.memory_space<hbm>>
      %dma_wait3A_32 = tpu.memref_squeeze %dma_wait3A_31 : memref<1x10240xf32, #tpu.memory_space<hbm>> -> memref<10240xf32, #tpu.memory_space<hbm>>
      %dma_wait3A_33 = arith.constant 0 : i32
      %dma_wait3A_34 = tpu.memref_slice %arg7[%add3A, %dma_wait3A_33] : memref<32x10240xf32, #tpu.memory_space<hbm>> -> memref<1x10240xf32, #tpu.memory_space<hbm>>
      %dma_wait3A_35 = tpu.memref_squeeze %dma_wait3A_34 : memref<1x10240xf32, #tpu.memory_space<hbm>> -> memref<10240xf32, #tpu.memory_space<hbm>>
      tpu.wait_dma2 semaphore(%run_scoped3A : memref<!tpu.dma_semaphore, #tpu.memory_space<semaphore_mem>>) src(%arg21 : memref<10240xf32, #tpu.memory_space<vmem>>) dst(%dma_wait3A_35 : memref<10240xf32, #tpu.memory_space<hbm>>)
      tpu.yield
    }) : () -> ()
    return
  }
}

module attributes {stable_mosaic.version = 14 : i64} {
  func.func @_dense_body(%arg0: i32, %arg1: memref<2x2048x128xbf16, #tpu.memory_space<vmem>>, %arg2: memref<32x2048xf32, #tpu.memory_space<vmem>>, %arg3: memref<2048x128xf32, #tpu.memory_space<vmem>>, %arg4: memref<128x128xf32, #tpu.memory_space<vmem>>, %arg5: memref<128x128xf32, #tpu.memory_space<vmem>>, %arg6: memref<1x128xf32, #tpu.memory_space<vmem>>, %arg7: memref<2048x128xf32, #tpu.memory_space<vmem>>) attributes {dimension_semantics = [#tpu.dimension_semantics<arbitrary>], iteration_bounds = array<i64: 5>, scalar_prefetch = 0 : i64, scratch_operands = 0 : i64, tpu.core_type = #tpu.core_type<tc>, window_params = [{transform_indices = @transform_0, window_bounds = array<i64: 2, 2048, 128>}, {transform_indices = @transform_1, window_bounds = array<i64: 32, 2048>}, {transform_indices = @transform_2, window_bounds = array<i64: 2048, 128>}, {pipeline_mode = #tpu.pipeline_mode<synchronous>, transform_indices = @transform_3, window_bounds = array<i64: 128, 128>}, {pipeline_mode = #tpu.pipeline_mode<synchronous>, transform_indices = @transform_4, window_bounds = array<i64: 128, 128>}, {pipeline_mode = #tpu.pipeline_mode<synchronous>, transform_indices = @transform_5, window_bounds = array<i64: 1, 128>}, {transform_indices = @transform_6, window_bounds = array<i64: 2048, 128>}]} {
    %get3A = arith.constant 0 : index
    %get3A_0 = arith.constant 0 : index
    %get3A_1 = arith.constant 0 : index
    %get3A_2 = vector.load %arg1[%get3A, %get3A_0, %get3A_1] : memref<2x2048x128xbf16, #tpu.memory_space<vmem>>, vector<1x2048x128xbf16>
    %get3A_3 = vector.shape_cast %get3A_2 : vector<1x2048x128xbf16> to vector<2048x128xbf16>
    %convert_element_type3A = arith.extf %get3A_3 : vector<2048x128xbf16> to vector<2048x128xf32>
    %get3A_4 = arith.constant 1 : index
    %get3A_5 = arith.constant 0 : index
    %get3A_6 = arith.constant 0 : index
    %get3A_7 = vector.load %arg1[%get3A_4, %get3A_5, %get3A_6] : memref<2x2048x128xbf16, #tpu.memory_space<vmem>>, vector<1x2048x128xbf16>
    %get3A_8 = vector.shape_cast %get3A_7 : vector<1x2048x128xbf16> to vector<2048x128xbf16>
    %convert_element_type3A_9 = arith.extf %get3A_8 : vector<2048x128xbf16> to vector<2048x128xf32>
    %add3A = arith.addf %convert_element_type3A, %convert_element_type3A_9 : vector<2048x128xf32>
    %get3A_10 = arith.constant 0 : index
    %get3A_11 = arith.constant 0 : index
    %get3A_12 = vector.load %arg2[%get3A_10, %get3A_11] : memref<32x2048xf32, #tpu.memory_space<vmem>>, vector<32x2048xf32>
    %reduce_sum3A = arith.constant dense<0.000000e+00> : vector<2048xf32>
    %reduce_sum3A_13 = vector.multi_reduction <add>, %get3A_12, %reduce_sum3A [0] : vector<32x2048xf32> to vector<2048xf32>
    %broadcast_in_dim3A = vector.shape_cast %reduce_sum3A_13 : vector<2048xf32> to vector<2048x1xf32>
    %max3A = arith.constant 1.000000e+00 : f32
    %max3A_14 = vector.broadcast %max3A : f32 to vector<2048x1xf32>
    %max3A_15 = arith.maximumf %broadcast_in_dim3A, %max3A_14 : vector<2048x1xf32>
    %div3A = vector.broadcast %max3A_15 : vector<2048x1xf32> to vector<2048x128xf32>
    %div3A_16 = arith.divf %add3A, %div3A : vector<2048x128xf32>
    %get3A_17 = arith.constant 0 : index
    %get3A_18 = arith.constant 0 : index
    %get3A_19 = vector.load %arg4[%get3A_17, %get3A_18] : memref<128x128xf32, #tpu.memory_space<vmem>>, vector<128x128xf32>
    %dot_general3A = arith.constant dense<0.000000e+00> : vector<2048x128xf32>
    %dot_general3A_20 = tpu.matmul %div3A_16, %get3A_19, %dot_general3A {dimension_numbers = #tpu.dot_dimension_numbers<[1], [0], [0], [1], [0, 0, 1, 1], [], []>, transpose_lhs_hint = false} : vector<2048x128xf32>, vector<128x128xf32>, vector<2048x128xf32> -> vector<2048x128xf32>
    %get3A_21 = arith.constant 0 : index
    %get3A_22 = arith.constant 0 : index
    %get3A_23 = vector.load %arg3[%get3A_21, %get3A_22] : memref<2048x128xf32, #tpu.memory_space<vmem>>, vector<2048x128xf32>
    %get3A_24 = arith.constant 0 : index
    %get3A_25 = arith.constant 0 : index
    %get3A_26 = vector.load %arg5[%get3A_24, %get3A_25] : memref<128x128xf32, #tpu.memory_space<vmem>>, vector<128x128xf32>
    %dot_general3A_27 = arith.constant dense<0.000000e+00> : vector<2048x128xf32>
    %dot_general3A_28 = tpu.matmul %get3A_23, %get3A_26, %dot_general3A_27 {dimension_numbers = #tpu.dot_dimension_numbers<[1], [0], [0], [1], [0, 0, 1, 1], [], []>, transpose_lhs_hint = false} : vector<2048x128xf32>, vector<128x128xf32>, vector<2048x128xf32> -> vector<2048x128xf32>
    %add3A_29 = arith.addf %dot_general3A_20, %dot_general3A_28 : vector<2048x128xf32>
    %get3A_30 = arith.constant 0 : index
    %get3A_31 = arith.constant 0 : index
    %get3A_32 = vector.load %arg6[%get3A_30, %get3A_31] : memref<1x128xf32, #tpu.memory_space<vmem>>, vector<1x128xf32>
    %add3A_33 = vector.broadcast %get3A_32 : vector<1x128xf32> to vector<2048x128xf32>
    %add3A_34 = arith.addf %add3A_29, %add3A_33 : vector<2048x128xf32>
    %max3A_35 = arith.constant 0.000000e+00 : f32
    %max3A_36 = vector.broadcast %max3A_35 : f32 to vector<2048x128xf32>
    %max3A_37 = arith.maximumf %add3A_34, %max3A_36 : vector<2048x128xf32>
    %swap3A = arith.constant 0 : index
    %swap3A_38 = arith.constant 0 : index
    %swap3A_39 = vector.load %arg7[%swap3A, %swap3A_38] : memref<2048x128xf32, #tpu.memory_space<vmem>>, vector<2048x128xf32>
    tpu.vector_store %arg7[%swap3A, %swap3A_38], %max3A_37 {strides = array<i32>} : memref<2048x128xf32, #tpu.memory_space<vmem>>, vector<2048x128xf32>,
    return
  }
  func.func @transform_0(%arg0: i32) -> (i32, i32, i32) {
    %c0_i32 = arith.constant 0 : i32
    %c0_i32_0 = arith.constant 0 : i32
    %c0_i32_1 = arith.constant 0 : i32
    return %c0_i32, %arg0, %c0_i32_0 : i32, i32, i32
  }
  func.func @transform_1(%arg0: i32) -> (i32, i32) {
    %c0_i32 = arith.constant 0 : i32
    %c0_i32_0 = arith.constant 0 : i32
    return %c0_i32, %arg0 : i32, i32
  }
  func.func @transform_2(%arg0: i32) -> (i32, i32) {
    %c0_i32 = arith.constant 0 : i32
    %c0_i32_0 = arith.constant 0 : i32
    return %arg0, %c0_i32 : i32, i32
  }
  func.func @transform_3(%arg0: i32) -> (i32, i32) {
    %c0_i32 = arith.constant 0 : i32
    %c0_i32_0 = arith.constant 0 : i32
    %c0_i32_1 = arith.constant 0 : i32
    return %c0_i32, %c0_i32_0 : i32, i32
  }
  func.func @transform_4(%arg0: i32) -> (i32, i32) {
    %c0_i32 = arith.constant 0 : i32
    %c0_i32_0 = arith.constant 0 : i32
    %c0_i32_1 = arith.constant 0 : i32
    return %c0_i32, %c0_i32_0 : i32, i32
  }
  func.func @transform_5(%arg0: i32) -> (i32, i32) {
    %c0_i32 = arith.constant 0 : i32
    %c0_i32_0 = arith.constant 0 : i32
    %c0_i32_1 = arith.constant 0 : i32
    return %c0_i32, %c0_i32_0 : i32, i32
  }
  func.func @transform_6(%arg0: i32) -> (i32, i32) {
    %c0_i32 = arith.constant 0 : i32
    %c0_i32_0 = arith.constant 0 : i32
    return %arg0, %c0_i32 : i32, i32
  }
}

module attributes {stable_mosaic.version = 14 : i64} {
  func.func @_dense_body(%arg0: i32, %arg1: memref<2x2048x128xbf16, #tpu.memory_space<vmem>>, %arg2: memref<32x2048xf32, #tpu.memory_space<vmem>>, %arg3: memref<2048x128xf32, #tpu.memory_space<vmem>>, %arg4: memref<128x128xf32, #tpu.memory_space<vmem>>, %arg5: memref<128x128xf32, #tpu.memory_space<vmem>>, %arg6: memref<1x128xf32, #tpu.memory_space<vmem>>, %arg7: memref<2048x128xf32, #tpu.memory_space<vmem>>) attributes {dimension_semantics = [#tpu.dimension_semantics<arbitrary>], iteration_bounds = array<i64: 5>, scalar_prefetch = 0 : i64, scratch_operands = 0 : i64, tpu.core_type = #tpu.core_type<tc>, window_params = [{transform_indices = @transform_0, window_bounds = array<i64: 2, 2048, 128>}, {transform_indices = @transform_1, window_bounds = array<i64: 32, 2048>}, {transform_indices = @transform_2, window_bounds = array<i64: 2048, 128>}, {pipeline_mode = #tpu.pipeline_mode<synchronous>, transform_indices = @transform_3, window_bounds = array<i64: 128, 128>}, {pipeline_mode = #tpu.pipeline_mode<synchronous>, transform_indices = @transform_4, window_bounds = array<i64: 128, 128>}, {pipeline_mode = #tpu.pipeline_mode<synchronous>, transform_indices = @transform_5, window_bounds = array<i64: 1, 128>}, {transform_indices = @transform_6, window_bounds = array<i64: 2048, 128>}]} {
    %get3A = arith.constant 0 : index
    %get3A_0 = arith.constant 0 : index
    %get3A_1 = arith.constant 0 : index
    %get3A_2 = vector.load %arg1[%get3A, %get3A_0, %get3A_1] : memref<2x2048x128xbf16, #tpu.memory_space<vmem>>, vector<1x2048x128xbf16>
    %get3A_3 = vector.shape_cast %get3A_2 : vector<1x2048x128xbf16> to vector<2048x128xbf16>
    %convert_element_type3A = arith.extf %get3A_3 : vector<2048x128xbf16> to vector<2048x128xf32>
    %get3A_4 = arith.constant 1 : index
    %get3A_5 = arith.constant 0 : index
    %get3A_6 = arith.constant 0 : index
    %get3A_7 = vector.load %arg1[%get3A_4, %get3A_5, %get3A_6] : memref<2x2048x128xbf16, #tpu.memory_space<vmem>>, vector<1x2048x128xbf16>
    %get3A_8 = vector.shape_cast %get3A_7 : vector<1x2048x128xbf16> to vector<2048x128xbf16>
    %convert_element_type3A_9 = arith.extf %get3A_8 : vector<2048x128xbf16> to vector<2048x128xf32>
    %add3A = arith.addf %convert_element_type3A, %convert_element_type3A_9 : vector<2048x128xf32>
    %get3A_10 = arith.constant 0 : index
    %get3A_11 = arith.constant 0 : index
    %get3A_12 = vector.load %arg2[%get3A_10, %get3A_11] : memref<32x2048xf32, #tpu.memory_space<vmem>>, vector<32x2048xf32>
    %reduce_sum3A = arith.constant dense<0.000000e+00> : vector<2048xf32>
    %reduce_sum3A_13 = vector.multi_reduction <add>, %get3A_12, %reduce_sum3A [0] : vector<32x2048xf32> to vector<2048xf32>
    %broadcast_in_dim3A = vector.shape_cast %reduce_sum3A_13 : vector<2048xf32> to vector<2048x1xf32>
    %max3A = arith.constant 1.000000e+00 : f32
    %max3A_14 = vector.broadcast %max3A : f32 to vector<2048x1xf32>
    %max3A_15 = arith.maximumf %broadcast_in_dim3A, %max3A_14 : vector<2048x1xf32>
    %div3A = vector.broadcast %max3A_15 : vector<2048x1xf32> to vector<2048x128xf32>
    %div3A_16 = arith.divf %add3A, %div3A : vector<2048x128xf32>
    %get3A_17 = arith.constant 0 : index
    %get3A_18 = arith.constant 0 : index
    %get3A_19 = vector.load %arg4[%get3A_17, %get3A_18] : memref<128x128xf32, #tpu.memory_space<vmem>>, vector<128x128xf32>
    %dot_general3A = arith.constant dense<0.000000e+00> : vector<2048x128xf32>
    %dot_general3A_20 = tpu.matmul %div3A_16, %get3A_19, %dot_general3A {dimension_numbers = #tpu.dot_dimension_numbers<[1], [0], [0], [1], [0, 0, 1, 1], [], []>, transpose_lhs_hint = false} : vector<2048x128xf32>, vector<128x128xf32>, vector<2048x128xf32> -> vector<2048x128xf32>
    %get3A_21 = arith.constant 0 : index
    %get3A_22 = arith.constant 0 : index
    %get3A_23 = vector.load %arg3[%get3A_21, %get3A_22] : memref<2048x128xf32, #tpu.memory_space<vmem>>, vector<2048x128xf32>
    %get3A_24 = arith.constant 0 : index
    %get3A_25 = arith.constant 0 : index
    %get3A_26 = vector.load %arg5[%get3A_24, %get3A_25] : memref<128x128xf32, #tpu.memory_space<vmem>>, vector<128x128xf32>
    %dot_general3A_27 = arith.constant dense<0.000000e+00> : vector<2048x128xf32>
    %dot_general3A_28 = tpu.matmul %get3A_23, %get3A_26, %dot_general3A_27 {dimension_numbers = #tpu.dot_dimension_numbers<[1], [0], [0], [1], [0, 0, 1, 1], [], []>, transpose_lhs_hint = false} : vector<2048x128xf32>, vector<128x128xf32>, vector<2048x128xf32> -> vector<2048x128xf32>
    %add3A_29 = arith.addf %dot_general3A_20, %dot_general3A_28 : vector<2048x128xf32>
    %get3A_30 = arith.constant 0 : index
    %get3A_31 = arith.constant 0 : index
    %get3A_32 = vector.load %arg6[%get3A_30, %get3A_31] : memref<1x128xf32, #tpu.memory_space<vmem>>, vector<1x128xf32>
    %add3A_33 = vector.broadcast %get3A_32 : vector<1x128xf32> to vector<2048x128xf32>
    %add3A_34 = arith.addf %add3A_29, %add3A_33 : vector<2048x128xf32>
    %swap3A = arith.constant 0 : index
    %swap3A_35 = arith.constant 0 : index
    %swap3A_36 = vector.load %arg7[%swap3A, %swap3A_35] : memref<2048x128xf32, #tpu.memory_space<vmem>>, vector<2048x128xf32>
    tpu.vector_store %arg7[%swap3A, %swap3A_35], %add3A_34 {strides = array<i32>} : memref<2048x128xf32, #tpu.memory_space<vmem>>, vector<2048x128xf32>,
    return
  }
  func.func @transform_0(%arg0: i32) -> (i32, i32, i32) {
    %c0_i32 = arith.constant 0 : i32
    %c0_i32_0 = arith.constant 0 : i32
    %c0_i32_1 = arith.constant 0 : i32
    return %c0_i32, %arg0, %c0_i32_0 : i32, i32, i32
  }
  func.func @transform_1(%arg0: i32) -> (i32, i32) {
    %c0_i32 = arith.constant 0 : i32
    %c0_i32_0 = arith.constant 0 : i32
    return %c0_i32, %arg0 : i32, i32
  }
  func.func @transform_2(%arg0: i32) -> (i32, i32) {
    %c0_i32 = arith.constant 0 : i32
    %c0_i32_0 = arith.constant 0 : i32
    return %arg0, %c0_i32 : i32, i32
  }
  func.func @transform_3(%arg0: i32) -> (i32, i32) {
    %c0_i32 = arith.constant 0 : i32
    %c0_i32_0 = arith.constant 0 : i32
    %c0_i32_1 = arith.constant 0 : i32
    return %c0_i32, %c0_i32_0 : i32, i32
  }
  func.func @transform_4(%arg0: i32) -> (i32, i32) {
    %c0_i32 = arith.constant 0 : i32
    %c0_i32_0 = arith.constant 0 : i32
    %c0_i32_1 = arith.constant 0 : i32
    return %c0_i32, %c0_i32_0 : i32, i32
  }
  func.func @transform_5(%arg0: i32) -> (i32, i32) {
    %c0_i32 = arith.constant 0 : i32
    %c0_i32_0 = arith.constant 0 : i32
    %c0_i32_1 = arith.constant 0 : i32
    return %c0_i32, %c0_i32_0 : i32, i32
  }
  func.func @transform_6(%arg0: i32) -> (i32, i32) {
    %c0_i32 = arith.constant 0 : i32
    %c0_i32_0 = arith.constant 0 : i32
    return %arg0, %c0_i32 : i32, i32
  }
}

</mosaic_0001>

<sc_bundles>
// kernel: kernel.6.cloned.1.call-start
scs
__scs_entry_jumppad:
0x0: {  	(pc) =	sbr.rel $0x88, $3  }
0x1: {  	(tag) =	ssettag $0x0;
	lr =	simm.s32 $0x1  }
0x2: {  	[smem:$0x3F99] =	sst lr;
	_ =	strace $0xD0000000  }
0x3: {  	_ = 	snop  }
0x4: {  	_ = 	snop  }
0x5: {  	_ = 	snop  }
0x6: {  	_ = 	snop  }
0x7: {  	_ = 	snop  }
__scs_overlays_trampoline_lowered:
0x8: {  	[smem:$0x3FA8] =	sst s0  }
0x9: {  	[smem:$0x3FA9] =	sst s1  }
0xa: {  	[smem:$0x3FAA] =	sst s2  }
0xb: {  	[smem:$0x3FAB] =	sst s3  }
0xc: {  	[smem:$0x3FAC] =	sst s4  }
0xd: {  	[smem:$0x3FAD] =	sst s5  }
0xe: {  	[smem:$0x3FAE] =	sst s6  }
0xf: {  	[smem:$0x3FAF] =	sst s7  }
0x10: {  	[smem:$0x3FB0] =	sst s8  }
0x11: {  	[smem:$0x3FB1] =	sst s9;
	s0 =	simm.s32 @!p0 $0x0  }
0x12: {  	s1 =	sld [smem:$0x3F97];
	s0 =	simm.s32 @p0 $0x1  }
0x13: {  	[smem:$0x3FB2] =	sst s0;
	s0 =	simm.s32 @!p1 $0x0  }
0x14: {  	s2 =	sld [smem:$0x3F96];
	s0 =	simm.s32 @p1 $0x1  }
0x15: {  	[smem:$0x3FB3] =	sst s0;
	s0 =	simm.s32 @!p2 $0x0  }
0x16: {  	s3 =	sld [smem:$0x3FDB];
	s0 =	simm.s32 @p2 $0x1  }
0x17: {  	s4 =	simm.s32 $0x1BF5;
	[smem:$0x3FB5] =	sst s0  }
0x18: {  	s0 =	sld [smem:$0x3F98];
	_ =	swait.ge [sflag:s4], $0x0  }
0x19: {  	s7 =	sld [smem:$0x3F99]  }
0x1a: {  	s8 =	sadd.s32 $0xFFFFE003, lr  }
0x1b: {  	s9 =	sadd.s32 $0xFFFFFEF7, lr;
	s5 =	simm.s32 $0xFFFFFFFF;
	p2 =	slt.u32 s8, $0xFFFFF086  }
0x1c: {  	p1 =	slt.u32 s9, $0xF7A;
	s5 =	simm.s32 @!p2 $0x0  }
0x1d: {  	s5 =	simm.s32 @p1 $0x1;
	p0 =	seq.s32 s7, s2  }
0x1e: {  	s7 =	smul.u32 @!p0 $0xF7A, s2;
	p2 =	seq.s32 @!p0 s5, $0x0  }
0x1f: {  	s9 =	smul.u32 $0xF7A, s1;
	s8 =	simm.s32 @!p0 $0x1BF5;
	p2 =	por !p2, p0  }
0x20: {  	[sflag:s8] =	ssyncset.s32 @!p0 $0xFFFFF086;
	s6 =	sadd.s32 @!p0 s3, s7;
	s7 =	simm.s32 @!p0 $0x108  }
0x21: {  	s3 =	sadd.s32 s3, s9;
	s6 =	sadd.s32 @!p0 $0x88, s6;
	s7 =	simm.s32 @p2 $0x1082  }
0x22: {  	[simem:s7], [sflag:s8] =	dma.local @!p0 [hbm:s6], $0xF7A  }
0x23: {  	s9 =	sor.u32 $0xD0000000, s2;
	s6 =	simm.s32 $0x108;
	_ =	swait.ge @!p0 [sflag:s8], $0x0  }
0x24: {  	s3 =	sadd.s32 $0x88, s3;
	s6 =	simm.s32 @!p1 $0x1082;
	[sflag:s4] =	ssyncset.s32 $0xFFFFF086  }
0x25: {  	[simem:s6], [sflag:s4] =	dma.local [hbm:s3], $0xF7A  }
0x26: {  	[smem:$0x3F99] =	sst s1;
	(tag) =	ssettag s2;
	_ =	strace s9  }
0x27: {  	s1 =	sld [smem:$0x3FA9]  }
0x28: {  	s2 =	sld [smem:$0x3FAA]  }
0x29: {  	s4 =	sld [smem:$0x3FAC]  }
0x2a: {  	p0 =	seq.s32 s5, $0x0;
	s5 =	sld [smem:$0x3FAD]  }
0x2b: {  	s6 =	sld [smem:$0x3FAE]  }
0x2c: {  	s7 =	sld [smem:$0x3FAF]  }
0x2d: {  	s3 =	simm.s32 $0x108;
	s8 =	sld [smem:$0x3FB0]  }
0x2e: {  	s3 =	simm.s32 @!p0 $0x1082;
	s9 =	sld [smem:$0x3FB1]  }
0x2f: {  	lr =	sadd.s32 s0, s3;
	s0 =	sld [smem:$0x3FA8]  }
0x30: {  	s3 =	sld [smem:$0x3FAB]  }
0x31: {  	[smem:$0x3FB4] =	sst s10  }
0x32: {  	s10 =	sld [smem:$0x3FB2];
	_ =	sdelay $0x3  }
0x33: {  	p0 =	seq.s32 s10, $0x1;
	s10 =	sld [smem:$0x3FB4];
	_ =	sdelay $0x3  }
0x34: {  	[smem:$0x3FB4] =	sst s10  }
0x35: {  	s10 =	sld [smem:$0x3FB3];
	_ =	sdelay $0x3  }
0x36: {  	p1 =	seq.s32 s10, $0x1;
	s10 =	sld [smem:$0x3FB4];
	_ =	sdelay $0x3  }
0x37: {  	[smem:$0x3FB4] =	sst s10  }
0x38: {  	s10 =	sld [smem:$0x3FB5]  }
0x39: {  	_ = 	snop;
	(pc) =	sbr.ind lr, $3  }
0x3a: {  	_ = 	snop  }
0x3b: {  	_ = 	snop  }
0x3c: {  	p2 =	seq.s32 s10, $0x1;
	s10 =	sld [smem:$0x3FB4]  }
0x3d: {  	_ =	shalt  }
0x3e: {  	_ =	shalt  }
0x3f: {  	_ =	shalt  }
0x40: {  	_ =	shalt  }
0x41: {  	_ =	shalt  }
0x42: {  	_ =	shalt  }
0x43: {  	_ =	shalt  }
0x44: {  	_ =	shalt  }
0x45: {  	_ =	shalt  }
0x46: {  	_ =	shalt  }
0x47: {  	_ =	shalt  }
0x48: {  	_ =	shalt  }
0x49: {  	_ =	shalt  }
0x4a: {  	_ =	shalt  }
0x4b: {  	_ =	shalt  }
0x4c: {  	_ =	shalt  }
0x4d: {  	_ =	shalt  }
0x4e: {  	_ =	shalt  }
0x4f: {  	_ =	shalt  }
0x50: {  	_ =	shalt  }
0x51: {  	_ =	shalt  }
0x52: {  	_ =	shalt  }
0x53: {  	_ =	shalt  }
0x54: {  	_ =	shalt  }
0x55: {  	_ =	shalt  }
0x56: {  	_ =	shalt  }
0x57: {  	_ =	shalt  }
0x58: {  	_ =	shalt  }
0x59: {  	_ =	shalt  }
0x5a: {  	_ =	shalt  }
0x5b: {  	_ =	shalt  }
0x5c: {  	_ =	shalt  }
0x5d: {  	_ =	shalt  }
0x5e: {  	_ =	shalt  }
0x5f: {  	_ =	shalt  }
0x60: {  	_ =	shalt  }
0x61: {  	_ =	shalt  }
0x62: {  	_ =	shalt  }
0x63: {  	_ =	shalt  }
0x64: {  	_ =	shalt  }
0x65: {  	_ =	shalt  }
0x66: {  	_ =	shalt  }
0x67: {  	_ =	shalt  }
0x68: {  	_ =	shalt  }
0x69: {  	_ =	shalt  }
0x6a: {  	_ =	shalt  }
0x6b: {  	_ =	shalt  }
0x6c: {  	_ =	shalt  }
0x6d: {  	_ =	shalt  }
0x6e: {  	_ =	shalt  }
0x6f: {  	_ =	shalt  }
0x70: {  	_ =	shalt  }
0x71: {  	_ =	shalt  }
0x72: {  	_ =	shalt  }
0x73: {  	_ =	shalt  }
0x74: {  	_ =	shalt  }
0x75: {  	_ =	shalt  }
0x76: {  	_ =	shalt  }
0x77: {  	_ =	shalt  }
0x78: {  	_ =	shalt  }
0x79: {  	_ =	shalt  }
0x7a: {  	_ =	shalt  }
0x7b: {  	_ =	shalt  }
0x7c: {  	_ =	shalt  }
0x7d: {  	_ =	shalt  }
0x7e: {  	_ =	shalt  }
0x7f: {  	_ =	shalt  }
0x80: {  	_ =	shalt  }
0x81: {  	_ =	shalt  }
0x82: {  	_ =	shalt  }
0x83: {  	_ =	shalt  }
0x84: {  	_ =	shalt  }
0x85: {  	_ =	shalt  }
0x86: {  	_ =	shalt  }
0x87: {  	_ =	shalt  }
.Lfunc_end0:
.L_simem_size_0:
called_computation_lowered:
.L_overlay_start_0:
0x88: {  	s2 =	sld [smem:$0x3FD9]  }
0x89: {  	s3 =	sld [smem:$0x3FFE];
	_ =	sdelay $0x1  }
0x8a: {  	s1 =	srdreg.scid  }
0x8b: {  	s0 =	sand.u32 $0x1, s1  }
0x8c: {  	s17 =	sshll.u32 s0, $0xA;
	s2 =	sadd.s32 s3, s2  }
0x8d: {  	s2 =	sadd.s32 s2, s17  }
0x8e: {  	[smem:$0x3FC0] =	sst s2  }
0x8f: {  	_ = 	snop  }
0x90: {  	s2 =	sld [smem:$0x3FD0];
	(tm) =	ssettm $0x1  }
0x91: {  	s18 =	sld [smem:$0x3FFB];
	_ =	sdelay $0x3  }
0x92: {  	_ =	strace s18  }
0x93: {  	s3 =	sld [smem:$0x3FFC];
	_ =	sdelay $0x3  }
0x94: {  	_ =	strace s3  }
0x95: {  	s3 =	sld [smem:$0x3FFD];
	_ =	sdelay $0x3  }
0x96: {  	_ =	strace s3  }
0x97: {  	_ =	strace $0x8FFFFFFF  }
0x98: {  	s19 =	sld [smem:$0x3FDB];
	_ =	sdelay $0x1  }
0x99: {  	s4 =	simm.s32 $_scs_section_size  }
0x9a: {  	s5 =	simm.s32 $_size__tile_overlayer_lowered;
	s6 =	simm.s32 $_tile_overlayer_lowered  }
0x9b: {  	s22 =	simm.s32 $0x1BFF;
	s21 =	sshll.u32 s6, $0x1;
	s3 =	sadd.s32 s4, s19  }
0x9c: {  	s7 =	simm.s32 $0x0;
	s20 =	sshll.u32 s5, $0x1;
	s5 =	sadd.s32 s21, s3  }
0x9d: {  	[timem:s7], [sflag:s22] =	dma.local [hbm:s5], s20  }
0x9e: {  	_ =	swait.ge [sflag:s22], s20  }
0x9f: {  	s4 =	ssub.s32 $0x0, s20;
	[sflag:s22] =	ssyncset.done $0x0  }
0xa0: {  	[sflag:s22] =	ssyncadd.s32 s4;
	_ =	sdelay $0x1  }
0xa1: {  	s23 =	simm.s32 $0x1B8B  }
0xa2: {  	_ =	swait.ge [sflag:s23], $0x1  }
0xa3: {  	[sflag:s23] =	ssyncset.done $0x0  }
0xa4: {  	s25 =	simm.s32 $0x1B8E;
	s24 =	sld [smem:$0x3FFE];
	[sflag:s23] =	ssyncadd.s32 $0xFFFFFFFF  }
0xa5: {  	s26 =	simm.s32 $execute0_lowered;
	[smem:$0x3FD2] =	sst s25  }
0xa6: {  	s5 =	sshll.u32 s26, $0x1;
	_ =	strace $0x80000046;
	[dreg:$0x1] =	wrdreg $0xFFFFFFFF  }
0xa7: {  	s28 =	simm.s32 $_size_execute0_lowered;
	s3 =	sadd.s32 s3, s5;
	[dreg:$0x0] =	wrdreg $0x0  }
0xa8: {  	s5 =	sshll.u32 s28, $0x1;
	[dreg:$0x2] =	wrdreg s3  }
0xa9: {  	[dreg:$0x3] =	wrdreg s5  }
0xaa: {  	[dreg:$0x4] =	wrdreg $0xC0  }
0xab: {  	_ =	task [dreg:s7], $0x5FFFF  }
0xac: {  	[dreg:$0x1] =	wrdreg $0xFFFFFFFF  }
0xad: {  	[dreg:$0x0] =	wrdreg $0x60  }
0xae: {  	[dreg:$0x2] =	wrdreg s2  }
0xaf: {  	[dreg:$0x3] =	wrdreg s24  }
0xb0: {  	[dreg:$0x4] =	wrdreg $0xF0000  }
0xb1: {  	[dreg:$0x5] =	wrdreg $0x9  }
0xb2: {  	_ =	task.clear_ibuf [dreg:s7], $0x6FFFF;
	_ =	strace $0x90000046  }
0xb3: {  	s29 =	simm.s32 $0x9;
	_ =	strace $0x80000048  }
0xb4: {  	_ =	swait.ge [sflag:s29], $0x1  }
0xb5: {  	[sflag:s29] =	ssyncadd.s32 $0xFFFFFFFF  }
0xb6: {  	_ =	strace $0x90000048  }
0xb7: {  	_ =	sfence  }
0xb8: {  	s30 =	sld [smem:$0x0];
	_ =	sdelay $0x2  }
0xb9: {  	s31 =	sshll.u32 s1, $0xD;
	s1 =	sshrl.u32 s1, $0x2  }
0xba: {  	s3 =	sand.u32 $0x4000, s31;
	s1 =	sadd.s32 s1, s30  }
0xbb: {  	s0 =	sor.u32 s3, s0;
	s1 =	sshll.u32 s1, $0x11  }
0xbc: {  	s0 =	sor.u32 s1, s0  }
0xbd: {  	s0 =	sadd.s32 $0x8F2B, s0  }
0xbe: {  	[sflag:s0] =	ssyncadd.remote.s32 $0x1  }
0xbf: {  	_ =	sfence.sel $0xFFFF  }
0xc0: {  	[dreg:$0x0] =	wrdreg $0xFFFFFFFF;
	(pc) =	sbr.abs _section_cstart, $3  }
0xc1: {  	[dreg:$0x1] =	wrdreg $0xFFFFFFFF  }
0xc2: {  	_ =	task.clear_ibuf [dreg:s7], $0x2FFFF;
	_ =	strace $0x9FFFFFFF  }
0xc3: {  	(tm) =	ssettm $0x7FFFFFFF  }
tec
execute0_lowered:
.L_overlay_start_1:
0x0: {  	(tag) =	ssettag $0x1  }
0x1: {  	s1 =	rddreg [dreg:$0x0]  }
0x2: {  	s6 =	rddreg [dreg:$0x1];
	s2 =	srdreg.scid  }
0x3: {  	s0 =	stileid.u32;
	s3 =	rddreg [dreg:$0x2];
	s4 =	simm.s32 $0x0  }
0x4: {  	s12 =	simm.s32 $0x2800;
	s15 =	simm.s32 $0x80;
	s16 =	simm.s32 $0x5000  }
0x5: {  	s17 =	simm.s32 $0x7000;
	s18 =	simm.s32 $0x9000;
	s19 =	simm.s32 $0xB000  }
0x6: {  	s20 =	simm.s32 $0xD000;
	s21 =	simm.s32 $0x1;
	s22 =	simm.s32 $0x19000  }
0x7: {  	s23 =	simm.s32 $0x2;
	s24 =	simm.s32 $0x3;
	s25 =	simm.s32 $0x4  }
0x8: {  	s26 =	simm.s32 $0x5;
	s5 =	sand.u32 $0x1, s2;
	s2 =	rddreg [dreg:$0x3]  }
0x9: {  	s28 =	simm.s32 $0x0;
	s7 =	smul.u32 $0x14000, s0;
	[smem:$0x7FF] =	sst s4  }
0xa: {  	s13 =	sshll.u32 s0, $0x6;
	s8 =	smul.u32 $0x140000, s5;
	s9 =	sshll.u32 s5, $0x4  }
0xb: {  	_ =	strace $0x80000047;
	s10 =	ssub.s32 $0x2, s5;
	s5 =	sadd.s32 $0x1800, s6  }
0xc: {  	s13 =	sor.u32 $0x1C06, s13;
	s9 =	sor.u32 s0, s9;
	s11 =	sshrl.u32 s10, $0x1  }
0xd: {  	s31 =	sshrl.u32 s7, $0x1;
	s8 =	sadd.s32 s7, s8;
	s9 =	smul.u32 $0x500, s9  }
0xe: {  	s10 =	ssub.s32 s10, s11;
	s14 =	sadd.s32 s31, s3;
	s11 =	simm.s32 $0x6  }
0xf: {  	s8 =	sshrl.u32 s8, $0x4;
	s10 =	smax.u32 s10, $0x1;
	s9 =	sadd.s32 s9, s6  }
0x10: {  	s14 =	sshrl.u32 s14, $0x3;
	s8 =	sadd.s32 s8, s6;
	s6 =	sadd.s32 $0x2C00, s9  }
0x11: {  	v0 =	vimm.f32 $0.0e+00;
	v1 =	vimm.f32 $1.000000000e+00;
	s7 =	sadd.s32 $0xCC00, s9;
	s8 =	sadd.s32 $0x20C00, s8;
	s9 =	sadd.s32 $0x16C00, s9  }
.LBB2_1:
0x12: {  	[tilespmem:s4], [sflag:$0x6] =	stream.linear.gather [hbm4b:s6+s4], $0x2800, $0x38;
	[tilespmem:$0x1B800] =	vst v63  }
0x13: {  	_ =	swait.ge [sflag:s11], $0x2800  }
0x14: {  	[sflag:s11] =	ssyncset.done $0x0  }
0x15: {  	[sflag:s11] =	ssyncadd.s32 $0xFFFFD800  }
0x16: {  	[tilespmem:s12], [sflag:$0x6] =	stream.linear.gather [hbm4b:s7+s4], $0x2800, $0x38;
	[tilespmem:$0x1B800] =	vst v63  }
0x17: {  	_ =	swait.ge [sflag:s11], $0x2800  }
0x18: {  	[sflag:s11] =	ssyncset.done $0x0  }
0x19: {  	[sflag:s11] =	ssyncadd.s32 $0xFFFFD800  }
0x1a: {  	[spmem:s14], [sflag:s13] =	dma.local [hbm:s5], $0x1400  }
0x1b: {  	_ =	swait.ge [sflag:s11], $0x1400  }
0x1c: {  	[sflag:s11] =	ssyncset.done $0x0  }
0x1d: {  	s29 =	simm.s32 $0x40;
	s30 =	simm.s32 $0x0;
	[sflag:s11] =	ssyncadd.s32 $0xFFFFEC00  }
.LBB2_2:
0x1e: {  	p0 =	sne.s32 s29, $0x9FC0;
	[tilespmem:s30+$0x19000] =	vst v0;
	s30 =	smov.u32 s29;
	s29 =	sadd.s32 $0x40, s29  }
.Ltmp0:
0x1f: {  	(pc) =	sbr.rel @p0 .LBB2_2-.Ltmp0, $2  }
0x20: {  	_ =	sdelay $0x2  }
0x21: {  	s30 =	sshra.s32 s30, $0x2  }
0x22: {  	[tilespmem:s30+$0x19000] =	vst v0  }
0x23: {  	s29 =	simm.s32 $0x0;
	[bflag:$0x0] =	sbarrier.arrive $0xFFFF  }
.LBB2_4:
0x24: {  	s30 =	sshra.s32 s29, $0x2  }
0x25: {  	[tilespmem:s16], [sflag:$0x1] =	stream.indirect.gather [hbm4b:s1+s15], $0x40, s30, s15, $0xb8;
	[tilespmem:$0x1B800] =	vst v63  }
0x26: {  	s31 =	sadd.s32 $0x80, s30  }
0x27: {  	[tilespmem:s17], [sflag:$0x2] =	stream.indirect.gather [hbm4b:s1+s15], $0x40, s31, s15, $0xb8;
	[tilespmem:$0x1B800] =	vst v63  }
0x28: {  	s31 =	sadd.s32 $0x100, s30  }
0x29: {  	[tilespmem:s18], [sflag:$0x3] =	stream.indirect.gather [hbm4b:s1+s15], $0x40, s31, s15, $0xb8;
	[tilespmem:$0x1B800] =	vst v63  }
0x2a: {  	s31 =	sadd.s32 $0x180, s30  }
0x2b: {  	[tilespmem:s19], [sflag:$0x4] =	stream.indirect.gather [hbm4b:s1+s15], $0x40, s31, s15, $0xb8;
	[tilespmem:$0x1B800] =	vst v63  }
0x2c: {  	s31 =	sadd.s32 $0x200, s30  }
0x2d: {  	[tilespmem:s20], [sflag:$0x5] =	stream.indirect.gather [hbm4b:s1+s15], $0x40, s31, s15, $0xb8;
	[tilespmem:$0x1B800] =	vst v63  }
0x2e: {  	_ =	swait.ge [sflag:s21], $0x2000  }
0x2f: {  	[sflag:s21] =	ssyncset.done $0x0  }
0x30: {  	s31 =	sadd.s32 $0x2800, s30;
	[sflag:s21] =	ssyncadd.s32 $0xFFFFE000  }
0x31: {  	[spmem:s3] =	stream.indirect.scatter.add.bf16 [tilespmem:s16], [sflag:$0x6], $0x40, s31, s15, $0xb8;
	[tilespmem:$0x1B800] =	vst v63  }
0x32: {  	_ =	swait.ge [sflag:s11], $0x2000  }
0x33: {  	[sflag:s11] =	ssyncset.done $0x0  }
0x34: {  	[sflag:s11] =	ssyncadd.s32 $0xFFFFE000  }
0x35: {  	v2 =	vld [tilespmem:s30+$0x2800];
	_ =	sdelay $0x7  }
0x36: {  	[tilespmem:v2+s22+$0x0] =	vst.idx.add.f32.msk $0xffff, v1  }
0x37: {  	v2 =	vld [tilespmem:s30+$0x2810];
	_ =	sdelay $0x7  }
0x38: {  	[tilespmem:v2+s22+$0x0] =	vst.idx.add.f32.msk $0xffff, v1  }
0x39: {  	v2 =	vld [tilespmem:s30+$0x2820];
	_ =	sdelay $0x7  }
0x3a: {  	[tilespmem:v2+s22+$0x0] =	vst.idx.add.f32.msk $0xffff, v1  }
0x3b: {  	v2 =	vld [tilespmem:s30+$0x2830];
	_ =	sdelay $0x7  }
0x3c: {  	[tilespmem:v2+s22+$0x0] =	vst.idx.add.f32.msk $0xffff, v1  }
0x3d: {  	v2 =	vld [tilespmem:s30+$0x2840];
	_ =	sdelay $0x7  }
0x3e: {  	[tilespmem:v2+s22+$0x0] =	vst.idx.add.f32.msk $0xffff, v1  }
0x3f: {  	v2 =	vld [tilespmem:s30+$0x2850];
	_ =	sdelay $0x7  }
0x40: {  	[tilespmem:v2+s22+$0x0] =	vst.idx.add.f32.msk $0xffff, v1  }
0x41: {  	v2 =	vld [tilespmem:s30+$0x2860];
	_ =	sdelay $0x7  }
0x42: {  	[tilespmem:v2+s22+$0x0] =	vst.idx.add.f32.msk $0xffff, v1  }
0x43: {  	v2 =	vld [tilespmem:s30+$0x2870];
	_ =	sdelay $0x7  }
0x44: {  	[tilespmem:v2+s22+$0x0] =	vst.idx.add.f32.msk $0xffff, v1  }
0x45: {  	_ =	swait.ge [sflag:s23], $0x2000  }
0x46: {  	[sflag:s23] =	ssyncset.done $0x0  }
0x47: {  	s31 =	sadd.s32 $0x2880, s30;
	[sflag:s23] =	ssyncadd.s32 $0xFFFFE000  }
0x48: {  	[spmem:s3] =	stream.indirect.scatter.add.bf16 [tilespmem:s17], [sflag:$0x6], $0x40, s31, s15, $0xb8;
	[tilespmem:$0x1B800] =	vst v63  }
0x49: {  	_ =	swait.ge [sflag:s11], $0x2000  }
0x4a: {  	[sflag:s11] =	ssyncset.done $0x0  }
0x4b: {  	[sflag:s11] =	ssyncadd.s32 $0xFFFFE000  }
0x4c: {  	v2 =	vld [tilespmem:s30+$0x2880];
	_ =	sdelay $0x7  }
0x4d: {  	[tilespmem:v2+s22+$0x0] =	vst.idx.add.f32.msk $0xffff, v1  }
0x4e: {  	v2 =	vld [tilespmem:s30+$0x2890];
	_ =	sdelay $0x7  }
0x4f: {  	[tilespmem:v2+s22+$0x0] =	vst.idx.add.f32.msk $0xffff, v1  }
0x50: {  	v2 =	vld [tilespmem:s30+$0x28A0];
	_ =	sdelay $0x7  }
0x51: {  	[tilespmem:v2+s22+$0x0] =	vst.idx.add.f32.msk $0xffff, v1  }
0x52: {  	v2 =	vld [tilespmem:s30+$0x28B0];
	_ =	sdelay $0x7  }
0x53: {  	[tilespmem:v2+s22+$0x0] =	vst.idx.add.f32.msk $0xffff, v1  }
0x54: {  	v2 =	vld [tilespmem:s30+$0x28C0];
	_ =	sdelay $0x7  }
0x55: {  	[tilespmem:v2+s22+$0x0] =	vst.idx.add.f32.msk $0xffff, v1  }
0x56: {  	v2 =	vld [tilespmem:s30+$0x28D0];
	_ =	sdelay $0x7  }
0x57: {  	[tilespmem:v2+s22+$0x0] =	vst.idx.add.f32.msk $0xffff, v1  }
0x58: {  	v2 =	vld [tilespmem:s30+$0x28E0];
	_ =	sdelay $0x7  }
0x59: {  	[tilespmem:v2+s22+$0x0] =	vst.idx.add.f32.msk $0xffff, v1  }
0x5a: {  	v2 =	vld [tilespmem:s30+$0x28F0];
	_ =	sdelay $0x7  }
0x5b: {  	[tilespmem:v2+s22+$0x0] =	vst.idx.add.f32.msk $0xffff, v1  }
0x5c: {  	_ =	swait.ge [sflag:s24], $0x2000  }
0x5d: {  	[sflag:s24] =	ssyncset.done $0x0  }
0x5e: {  	s31 =	sadd.s32 $0x2900, s30;
	[sflag:s24] =	ssyncadd.s32 $0xFFFFE000  }
0x5f: {  	[spmem:s3] =	stream.indirect.scatter.add.bf16 [tilespmem:s18], [sflag:$0x6], $0x40, s31, s15, $0xb8;
	[tilespmem:$0x1B800] =	vst v63  }
0x60: {  	_ =	swait.ge [sflag:s11], $0x2000  }
0x61: {  	[sflag:s11] =	ssyncset.done $0x0  }
0x62: {  	[sflag:s11] =	ssyncadd.s32 $0xFFFFE000  }
0x63: {  	v2 =	vld [tilespmem:s30+$0x2900];
	_ =	sdelay $0x7  }
0x64: {  	[tilespmem:v2+s22+$0x0] =	vst.idx.add.f32.msk $0xffff, v1  }
0x65: {  	v2 =	vld [tilespmem:s30+$0x2910];
	_ =	sdelay $0x7  }
0x66: {  	[tilespmem:v2+s22+$0x0] =	vst.idx.add.f32.msk $0xffff, v1  }
0x67: {  	v2 =	vld [tilespmem:s30+$0x2920];
	_ =	sdelay $0x7  }
0x68: {  	[tilespmem:v2+s22+$0x0] =	vst.idx.add.f32.msk $0xffff, v1  }
0x69: {  	v2 =	vld [tilespmem:s30+$0x2930];
	_ =	sdelay $0x7  }
0x6a: {  	[tilespmem:v2+s22+$0x0] =	vst.idx.add.f32.msk $0xffff, v1  }
0x6b: {  	v2 =	vld [tilespmem:s30+$0x2940];
	_ =	sdelay $0x7  }
0x6c: {  	[tilespmem:v2+s22+$0x0] =	vst.idx.add.f32.msk $0xffff, v1  }
0x6d: {  	v2 =	vld [tilespmem:s30+$0x2950];
	_ =	sdelay $0x7  }
0x6e: {  	[tilespmem:v2+s22+$0x0] =	vst.idx.add.f32.msk $0xffff, v1  }
0x6f: {  	v2 =	vld [tilespmem:s30+$0x2960];
	_ =	sdelay $0x7  }
0x70: {  	[tilespmem:v2+s22+$0x0] =	vst.idx.add.f32.msk $0xffff, v1  }
0x71: {  	v2 =	vld [tilespmem:s30+$0x2970];
	_ =	sdelay $0x7  }
0x72: {  	[tilespmem:v2+s22+$0x0] =	vst.idx.add.f32.msk $0xffff, v1  }
0x73: {  	_ =	swait.ge [sflag:s25], $0x2000  }
0x74: {  	[sflag:s25] =	ssyncset.done $0x0  }
0x75: {  	s31 =	sadd.s32 $0x2980, s30;
	[sflag:s25] =	ssyncadd.s32 $0xFFFFE000  }
0x76: {  	[spmem:s3] =	stream.indirect.scatter.add.bf16 [tilespmem:s19], [sflag:$0x6], $0x40, s31, s15, $0xb8;
	[tilespmem:$0x1B800] =	vst v63  }
0x77: {  	_ =	swait.ge [sflag:s11], $0x2000  }
0x78: {  	[sflag:s11] =	ssyncset.done $0x0  }
0x79: {  	[sflag:s11] =	ssyncadd.s32 $0xFFFFE000  }
0x7a: {  	v2 =	vld [tilespmem:s30+$0x2980];
	_ =	sdelay $0x7  }
0x7b: {  	[tilespmem:v2+s22+$0x0] =	vst.idx.add.f32.msk $0xffff, v1  }
0x7c: {  	v2 =	vld [tilespmem:s30+$0x2990];
	_ =	sdelay $0x7  }
0x7d: {  	[tilespmem:v2+s22+$0x0] =	vst.idx.add.f32.msk $0xffff, v1  }
0x7e: {  	v2 =	vld [tilespmem:s30+$0x29A0];
	_ =	sdelay $0x7  }
0x7f: {  	[tilespmem:v2+s22+$0x0] =	vst.idx.add.f32.msk $0xffff, v1  }
0x80: {  	v2 =	vld [tilespmem:s30+$0x29B0];
	_ =	sdelay $0x7  }
0x81: {  	[tilespmem:v2+s22+$0x0] =	vst.idx.add.f32.msk $0xffff, v1  }
0x82: {  	v2 =	vld [tilespmem:s30+$0x29C0];
	_ =	sdelay $0x7  }
0x83: {  	[tilespmem:v2+s22+$0x0] =	vst.idx.add.f32.msk $0xffff, v1  }
0x84: {  	v2 =	vld [tilespmem:s30+$0x29D0];
	_ =	sdelay $0x7  }
0x85: {  	[tilespmem:v2+s22+$0x0] =	vst.idx.add.f32.msk $0xffff, v1  }
0x86: {  	v2 =	vld [tilespmem:s30+$0x29E0];
	_ =	sdelay $0x7  }
0x87: {  	[tilespmem:v2+s22+$0x0] =	vst.idx.add.f32.msk $0xffff, v1  }
0x88: {  	v2 =	vld [tilespmem:s30+$0x29F0];
	_ =	sdelay $0x7  }
0x89: {  	[tilespmem:v2+s22+$0x0] =	vst.idx.add.f32.msk $0xffff, v1  }
0x8a: {  	_ =	swait.ge [sflag:s26], $0x2000  }
0x8b: {  	[sflag:s26] =	ssyncset.done $0x0  }
0x8c: {  	s31 =	sadd.s32 $0x2A00, s30;
	[sflag:s26] =	ssyncadd.s32 $0xFFFFE000  }
0x8d: {  	[spmem:s3] =	stream.indirect.scatter.add.bf16 [tilespmem:s20], [sflag:$0x6], $0x40, s31, s15, $0xb8;
	[tilespmem:$0x1B800] =	vst v63  }
0x8e: {  	_ =	swait.ge [sflag:s11], $0x2000  }
0x8f: {  	[sflag:s11] =	ssyncset.done $0x0  }
0x90: {  	[sflag:s11] =	ssyncadd.s32 $0xFFFFE000  }
0x91: {  	v2 =	vld [tilespmem:s30+$0x2A00];
	_ =	sdelay $0x7  }
0x92: {  	[tilespmem:v2+s22+$0x0] =	vst.idx.add.f32.msk $0xffff, v1  }
0x93: {  	v2 =	vld [tilespmem:s30+$0x2A10];
	_ =	sdelay $0x7  }
0x94: {  	[tilespmem:v2+s22+$0x0] =	vst.idx.add.f32.msk $0xffff, v1  }
0x95: {  	v2 =	vld [tilespmem:s30+$0x2A20];
	_ =	sdelay $0x7  }
0x96: {  	[tilespmem:v2+s22+$0x0] =	vst.idx.add.f32.msk $0xffff, v1  }
0x97: {  	v2 =	vld [tilespmem:s30+$0x2A30];
	_ =	sdelay $0x7  }
0x98: {  	[tilespmem:v2+s22+$0x0] =	vst.idx.add.f32.msk $0xffff, v1  }
0x99: {  	v2 =	vld [tilespmem:s30+$0x2A40];
	_ =	sdelay $0x7  }
0x9a: {  	[tilespmem:v2+s22+$0x0] =	vst.idx.add.f32.msk $0xffff, v1  }
0x9b: {  	v2 =	vld [tilespmem:s30+$0x2A50];
	_ =	sdelay $0x7  }
0x9c: {  	[tilespmem:v2+s22+$0x0] =	vst.idx.add.f32.msk $0xffff, v1  }
0x9d: {  	v2 =	vld [tilespmem:s30+$0x2A60];
	_ =	sdelay $0x7  }
0x9e: {  	[tilespmem:v2+s22+$0x0] =	vst.idx.add.f32.msk $0xffff, v1  }
0x9f: {  	v2 =	vld [tilespmem:s30+$0x2A70];
	_ =	sdelay $0x2  }
0xa0: {  	p0 =	sne.s32 s29, $0x9600  }
.Ltmp1:
0xa1: {  	_ = 	snop;
	(pc) =	sbr.rel @p0 .LBB2_4-.Ltmp1, $2  }
0xa2: {  	_ =	sdelay $0x2  }
0xa3: {  	s29 =	sadd.s32 $0xA00, s29;
	[tilespmem:v2+s22+$0x0] =	vst.idx.add.f32.msk $0xffff, v1  }
0xa4: {  	[bflag:$0x0] =	sbarrier.arrive $0xFFFF  }
0xa5: {  	[hbm:s8], [sflag:s13] =	dma.local [spmem:s14], $0x1400  }
0xa6: {  	s28 =	sadd.s32 $0x1, s28;
	_ =	swait.ge [sflag:s11], $0x1400  }
0xa7: {  	p0 =	sne.s32 s28, s10;
	[sflag:s11] =	ssyncset.done $0x0  }
.Ltmp2:
0xa8: {  	[sflag:s11] =	ssyncadd.s32 $0xFFFFEC00;
	(pc) =	sbr.rel @p0 .LBB2_1-.Ltmp2, $4  }
0xa9: {  	[hbm4b:s9+s4] =	stream.linear.scatter [tilespmem:s22], [sflag:$0x6], $0x2800, $0x38;
	[tilespmem:$0x1B800] =	vst v63  }
0xaa: {  	_ =	swait.ge [sflag:s11], $0x2800  }
0xab: {  	[sflag:s11] =	ssyncset.done $0x0  }
0xac: {  	[sflag:s11] =	ssyncadd.s32 $0xFFFFD800  }
0xad: {  	_ =	sfence.sel $0x180000  }
0xae: {  	[bflag:$0x0] =	sbarrier.arrive $0xFFFF  }
0xaf: {  	p0 =	sne.s32 s0, $0x0;
	_ =	strace $0x90000047  }
0xb0: {  	s0 =	sadd.s32 @!p0 $0x100000, s2;
	[bflag:$0x2] =	sbarrier.arrive $0xFFFF  }
0xb1: {  	[sflag:s0] =	ssyncadd.tile.s32 @!p0 $0x1;
	_ =	shalt  }
.Lfunc_end2:
_tile_overlayer_lowered:
.L_overlay_start_2:
0xb2: {  	(tag) =	ssettag $0x2  }
0xb3: {  	s0 =	rddreg [dreg:$0x0];
	s2 =	stileid.u32  }
0xb4: {  	s1 =	rddreg [dreg:$0x1];
	p0 =	sne.s32 s2, $0x0  }
0xb5: {  	s3 =	rddreg [dreg:$0x2];
	[bflag:$0x3] =	sbarrier.arrive $0xFFFF;
	s2 =	simm.s32 @!p0 $0x1C06  }
0xb6: {  	[timem:s3], [sflag:s2] =	dma.local @!p0 [hbm:s0], s1  }
0xb7: {  	s0 =	simm.s32 @!p0 $0x6  }
0xb8: {  	_ =	swait.ge @!p0 [sflag:s0], s1  }
0xb9: {  	s1 =	ssub.s32 @!p0 $0x0, s1;
	[sflag:s0] =	ssyncset.done @!p0 $0x0  }
0xba: {  	[sflag:s0] =	ssyncadd.s32 @!p0 s1  }
0xbb: {  	[bflag:$0x3] =	sbarrier.arrive $0xFFFF  }
0xbc: {  	_ =	shalt  }

// kernel: kernel.9.cloned.1.call-start
scs
__scs_entry_jumppad:
0x0: {  	(pc) =	sbr.rel $0x88, $3  }
0x1: {  	(tag) =	ssettag $0x0;
	lr =	simm.s32 $0x1  }
0x2: {  	[smem:$0x3F99] =	sst lr;
	_ =	strace $0xD0000000  }
0x3: {  	_ = 	snop  }
0x4: {  	_ = 	snop  }
0x5: {  	_ = 	snop  }
0x6: {  	_ = 	snop  }
0x7: {  	_ = 	snop  }
__scs_overlays_trampoline_lowered:
0x8: {  	[smem:$0x3FA8] =	sst s0  }
0x9: {  	[smem:$0x3FA9] =	sst s1  }
0xa: {  	[smem:$0x3FAA] =	sst s2  }
0xb: {  	[smem:$0x3FAB] =	sst s3  }
0xc: {  	[smem:$0x3FAC] =	sst s4  }
0xd: {  	[smem:$0x3FAD] =	sst s5  }
0xe: {  	[smem:$0x3FAE] =	sst s6  }
0xf: {  	[smem:$0x3FAF] =	sst s7  }
0x10: {  	[smem:$0x3FB0] =	sst s8  }
0x11: {  	[smem:$0x3FB1] =	sst s9;
	s0 =	simm.s32 @!p0 $0x0  }
0x12: {  	s1 =	sld [smem:$0x3F97];
	s0 =	simm.s32 @p0 $0x1  }
0x13: {  	[smem:$0x3FB2] =	sst s0;
	s0 =	simm.s32 @!p1 $0x0  }
0x14: {  	s2 =	sld [smem:$0x3F96];
	s0 =	simm.s32 @p1 $0x1  }
0x15: {  	[smem:$0x3FB3] =	sst s0;
	s0 =	simm.s32 @!p2 $0x0  }
0x16: {  	s3 =	sld [smem:$0x3FDB];
	s0 =	simm.s32 @p2 $0x1  }
0x17: {  	s4 =	simm.s32 $0x1BF5;
	[smem:$0x3FB5] =	sst s0  }
0x18: {  	s0 =	sld [smem:$0x3F98];
	_ =	swait.ge [sflag:s4], $0x0  }
0x19: {  	s7 =	sld [smem:$0x3F99]  }
0x1a: {  	s8 =	sadd.s32 $0xFFFFE003, lr  }
0x1b: {  	s9 =	sadd.s32 $0xFFFFFEF7, lr;
	s5 =	simm.s32 $0xFFFFFFFF;
	p2 =	slt.u32 s8, $0xFFFFF086  }
0x1c: {  	p1 =	slt.u32 s9, $0xF7A;
	s5 =	simm.s32 @!p2 $0x0  }
0x1d: {  	s5 =	simm.s32 @p1 $0x1;
	p0 =	seq.s32 s7, s2  }
0x1e: {  	s7 =	smul.u32 @!p0 $0xF7A, s2;
	p2 =	seq.s32 @!p0 s5, $0x0  }
0x1f: {  	s9 =	smul.u32 $0xF7A, s1;
	s8 =	simm.s32 @!p0 $0x1BF5;
	p2 =	por !p2, p0  }
0x20: {  	[sflag:s8] =	ssyncset.s32 @!p0 $0xFFFFF086;
	s6 =	sadd.s32 @!p0 s3, s7;
	s7 =	simm.s32 @!p0 $0x108  }
0x21: {  	s3 =	sadd.s32 s3, s9;
	s6 =	sadd.s32 @!p0 $0x88, s6;
	s7 =	simm.s32 @p2 $0x1082  }
0x22: {  	[simem:s7], [sflag:s8] =	dma.local @!p0 [hbm:s6], $0xF7A  }
0x23: {  	s9 =	sor.u32 $0xD0000000, s2;
	s6 =	simm.s32 $0x108;
	_ =	swait.ge @!p0 [sflag:s8], $0x0  }
0x24: {  	s3 =	sadd.s32 $0x88, s3;
	s6 =	simm.s32 @!p1 $0x1082;
	[sflag:s4] =	ssyncset.s32 $0xFFFFF086  }
0x25: {  	[simem:s6], [sflag:s4] =	dma.local [hbm:s3], $0xF7A  }
0x26: {  	[smem:$0x3F99] =	sst s1;
	(tag) =	ssettag s2;
	_ =	strace s9  }
0x27: {  	s1 =	sld [smem:$0x3FA9]  }
0x28: {  	s2 =	sld [smem:$0x3FAA]  }
0x29: {  	s4 =	sld [smem:$0x3FAC]  }
0x2a: {  	p0 =	seq.s32 s5, $0x0;
	s5 =	sld [smem:$0x3FAD]  }
0x2b: {  	s6 =	sld [smem:$0x3FAE]  }
0x2c: {  	s7 =	sld [smem:$0x3FAF]  }
0x2d: {  	s3 =	simm.s32 $0x108;
	s8 =	sld [smem:$0x3FB0]  }
0x2e: {  	s3 =	simm.s32 @!p0 $0x1082;
	s9 =	sld [smem:$0x3FB1]  }
0x2f: {  	lr =	sadd.s32 s0, s3;
	s0 =	sld [smem:$0x3FA8]  }
0x30: {  	s3 =	sld [smem:$0x3FAB]  }
0x31: {  	[smem:$0x3FB4] =	sst s10  }
0x32: {  	s10 =	sld [smem:$0x3FB2];
	_ =	sdelay $0x3  }
0x33: {  	p0 =	seq.s32 s10, $0x1;
	s10 =	sld [smem:$0x3FB4];
	_ =	sdelay $0x3  }
0x34: {  	[smem:$0x3FB4] =	sst s10  }
0x35: {  	s10 =	sld [smem:$0x3FB3];
	_ =	sdelay $0x3  }
0x36: {  	p1 =	seq.s32 s10, $0x1;
	s10 =	sld [smem:$0x3FB4];
	_ =	sdelay $0x3  }
0x37: {  	[smem:$0x3FB4] =	sst s10  }
0x38: {  	s10 =	sld [smem:$0x3FB5]  }
0x39: {  	_ = 	snop;
	(pc) =	sbr.ind lr, $3  }
0x3a: {  	_ = 	snop  }
0x3b: {  	_ = 	snop  }
0x3c: {  	p2 =	seq.s32 s10, $0x1;
	s10 =	sld [smem:$0x3FB4]  }
0x3d: {  	_ =	shalt  }
0x3e: {  	_ =	shalt  }
0x3f: {  	_ =	shalt  }
0x40: {  	_ =	shalt  }
0x41: {  	_ =	shalt  }
0x42: {  	_ =	shalt  }
0x43: {  	_ =	shalt  }
0x44: {  	_ =	shalt  }
0x45: {  	_ =	shalt  }
0x46: {  	_ =	shalt  }
0x47: {  	_ =	shalt  }
0x48: {  	_ =	shalt  }
0x49: {  	_ =	shalt  }
0x4a: {  	_ =	shalt  }
0x4b: {  	_ =	shalt  }
0x4c: {  	_ =	shalt  }
0x4d: {  	_ =	shalt  }
0x4e: {  	_ =	shalt  }
0x4f: {  	_ =	shalt  }
0x50: {  	_ =	shalt  }
0x51: {  	_ =	shalt  }
0x52: {  	_ =	shalt  }
0x53: {  	_ =	shalt  }
0x54: {  	_ =	shalt  }
0x55: {  	_ =	shalt  }
0x56: {  	_ =	shalt  }
0x57: {  	_ =	shalt  }
0x58: {  	_ =	shalt  }
0x59: {  	_ =	shalt  }
0x5a: {  	_ =	shalt  }
0x5b: {  	_ =	shalt  }
0x5c: {  	_ =	shalt  }
0x5d: {  	_ =	shalt  }
0x5e: {  	_ =	shalt  }
0x5f: {  	_ =	shalt  }
0x60: {  	_ =	shalt  }
0x61: {  	_ =	shalt  }
0x62: {  	_ =	shalt  }
0x63: {  	_ =	shalt  }
0x64: {  	_ =	shalt  }
0x65: {  	_ =	shalt  }
0x66: {  	_ =	shalt  }
0x67: {  	_ =	shalt  }
0x68: {  	_ =	shalt  }
0x69: {  	_ =	shalt  }
0x6a: {  	_ =	shalt  }
0x6b: {  	_ =	shalt  }
0x6c: {  	_ =	shalt  }
0x6d: {  	_ =	shalt  }
0x6e: {  	_ =	shalt  }
0x6f: {  	_ =	shalt  }
0x70: {  	_ =	shalt  }
0x71: {  	_ =	shalt  }
0x72: {  	_ =	shalt  }
0x73: {  	_ =	shalt  }
0x74: {  	_ =	shalt  }
0x75: {  	_ =	shalt  }
0x76: {  	_ =	shalt  }
0x77: {  	_ =	shalt  }
0x78: {  	_ =	shalt  }
0x79: {  	_ =	shalt  }
0x7a: {  	_ =	shalt  }
0x7b: {  	_ =	shalt  }
0x7c: {  	_ =	shalt  }
0x7d: {  	_ =	shalt  }
0x7e: {  	_ =	shalt  }
0x7f: {  	_ =	shalt  }
0x80: {  	_ =	shalt  }
0x81: {  	_ =	shalt  }
0x82: {  	_ =	shalt  }
0x83: {  	_ =	shalt  }
0x84: {  	_ =	shalt  }
0x85: {  	_ =	shalt  }
0x86: {  	_ =	shalt  }
0x87: {  	_ =	shalt  }
.Lfunc_end0:
.L_simem_size_0:
called_computation.1_lowered:
.L_overlay_start_0:
0x88: {  	s2 =	sld [smem:$0x3FD9]  }
0x89: {  	s3 =	sld [smem:$0x3FFE];
	_ =	sdelay $0x1  }
0x8a: {  	s1 =	srdreg.scid  }
0x8b: {  	s0 =	sand.u32 $0x1, s1  }
0x8c: {  	s17 =	sshll.u32 s0, $0xA;
	s2 =	sadd.s32 s3, s2  }
0x8d: {  	s2 =	sadd.s32 s2, s17  }
0x8e: {  	[smem:$0x3FC0] =	sst s2  }
0x8f: {  	_ = 	snop  }
0x90: {  	s2 =	sld [smem:$0x3FD0];
	(tm) =	ssettm $0x1  }
0x91: {  	s18 =	sld [smem:$0x3FFB];
	_ =	sdelay $0x3  }
0x92: {  	_ =	strace s18  }
0x93: {  	s3 =	sld [smem:$0x3FFC];
	_ =	sdelay $0x3  }
0x94: {  	_ =	strace s3  }
0x95: {  	s3 =	sld [smem:$0x3FFD];
	_ =	sdelay $0x3  }
0x96: {  	_ =	strace s3  }
0x97: {  	_ =	strace $0x8FFFFFFF  }
0x98: {  	s19 =	sld [smem:$0x3FDB];
	_ =	sdelay $0x1  }
0x99: {  	s4 =	simm.s32 $_scs_section_size  }
0x9a: {  	s5 =	simm.s32 $_size__tile_overlayer_lowered;
	s6 =	simm.s32 $_tile_overlayer_lowered  }
0x9b: {  	s22 =	simm.s32 $0x1BFF;
	s21 =	sshll.u32 s6, $0x1;
	s3 =	sadd.s32 s4, s19  }
0x9c: {  	s7 =	simm.s32 $0x0;
	s20 =	sshll.u32 s5, $0x1;
	s5 =	sadd.s32 s21, s3  }
0x9d: {  	[timem:s7], [sflag:s22] =	dma.local [hbm:s5], s20  }
0x9e: {  	_ =	swait.ge [sflag:s22], s20  }
0x9f: {  	s4 =	ssub.s32 $0x0, s20;
	[sflag:s22] =	ssyncset.done $0x0  }
0xa0: {  	[sflag:s22] =	ssyncadd.s32 s4;
	_ =	sdelay $0x1  }
0xa1: {  	s23 =	simm.s32 $0x1B8B  }
0xa2: {  	_ =	swait.ge [sflag:s23], $0x1  }
0xa3: {  	[sflag:s23] =	ssyncset.done $0x0  }
0xa4: {  	s25 =	simm.s32 $0x1B8E;
	s24 =	sld [smem:$0x3FFE];
	[sflag:s23] =	ssyncadd.s32 $0xFFFFFFFF  }
0xa5: {  	s26 =	simm.s32 $execute0_lowered;
	[smem:$0x3FD2] =	sst s25  }
0xa6: {  	s5 =	sshll.u32 s26, $0x1;
	_ =	strace $0x80000049;
	[dreg:$0x1] =	wrdreg $0xFFFFFFFF  }
0xa7: {  	s28 =	simm.s32 $_size_execute0_lowered;
	s3 =	sadd.s32 s3, s5;
	[dreg:$0x0] =	wrdreg $0x0  }
0xa8: {  	s5 =	sshll.u32 s28, $0x1;
	[dreg:$0x2] =	wrdreg s3  }
0xa9: {  	[dreg:$0x3] =	wrdreg s5  }
0xaa: {  	[dreg:$0x4] =	wrdreg $0xC0  }
0xab: {  	_ =	task [dreg:s7], $0x5FFFF  }
0xac: {  	[dreg:$0x1] =	wrdreg $0xFFFFFFFF  }
0xad: {  	[dreg:$0x0] =	wrdreg $0x60  }
0xae: {  	[dreg:$0x2] =	wrdreg s2  }
0xaf: {  	[dreg:$0x3] =	wrdreg s24  }
0xb0: {  	[dreg:$0x4] =	wrdreg $0xF0000  }
0xb1: {  	[dreg:$0x5] =	wrdreg $0x9  }
0xb2: {  	_ =	task.clear_ibuf [dreg:s7], $0x6FFFF;
	_ =	strace $0x90000049  }
0xb3: {  	s29 =	simm.s32 $0x9;
	_ =	strace $0x8000004B  }
0xb4: {  	_ =	swait.ge [sflag:s29], $0x1  }
0xb5: {  	[sflag:s29] =	ssyncadd.s32 $0xFFFFFFFF  }
0xb6: {  	_ =	strace $0x9000004B  }
0xb7: {  	_ =	sfence  }
0xb8: {  	s30 =	sld [smem:$0x0];
	_ =	sdelay $0x2  }
0xb9: {  	s31 =	sshll.u32 s1, $0xD;
	s1 =	sshrl.u32 s1, $0x2  }
0xba: {  	s3 =	sand.u32 $0x4000, s31;
	s1 =	sadd.s32 s1, s30  }
0xbb: {  	s0 =	sor.u32 s3, s0;
	s1 =	sshll.u32 s1, $0x11  }
0xbc: {  	s0 =	sor.u32 s1, s0  }
0xbd: {  	s0 =	sadd.s32 $0x8F2B, s0  }
0xbe: {  	[sflag:s0] =	ssyncadd.remote.s32 $0x1  }
0xbf: {  	_ =	sfence.sel $0xFFFF  }
0xc0: {  	[dreg:$0x0] =	wrdreg $0xFFFFFFFF;
	(pc) =	sbr.abs _section_cstart, $3  }
0xc1: {  	[dreg:$0x1] =	wrdreg $0xFFFFFFFF  }
0xc2: {  	_ =	task.clear_ibuf [dreg:s7], $0x2FFFF;
	_ =	strace $0x9FFFFFFF  }
0xc3: {  	(tm) =	ssettm $0x7FFFFFFF  }
tec
execute0_lowered:
.L_overlay_start_1:
0x0: {  	(tag) =	ssettag $0x1  }
0x1: {  	s1 =	rddreg [dreg:$0x0]  }
0x2: {  	s6 =	rddreg [dreg:$0x1];
	s2 =	srdreg.scid  }
0x3: {  	s0 =	stileid.u32;
	s3 =	rddreg [dreg:$0x2];
	s4 =	simm.s32 $0x0  }
0x4: {  	s12 =	simm.s32 $0x2800;
	s15 =	simm.s32 $0x80;
	s16 =	simm.s32 $0x5000  }
0x5: {  	s17 =	simm.s32 $0x7000;
	s18 =	simm.s32 $0x9000;
	s19 =	simm.s32 $0xB000  }
0x6: {  	s20 =	simm.s32 $0xD000;
	s21 =	simm.s32 $0x1;
	s22 =	simm.s32 $0x19000  }
0x7: {  	s23 =	simm.s32 $0x2;
	s24 =	simm.s32 $0x3;
	s25 =	simm.s32 $0x4  }
0x8: {  	s26 =	simm.s32 $0x5;
	s5 =	sand.u32 $0x1, s2;
	s2 =	rddreg [dreg:$0x3]  }
0x9: {  	s28 =	simm.s32 $0x0;
	s7 =	smul.u32 $0x14000, s0;
	[smem:$0x7FF] =	sst s4  }
0xa: {  	s13 =	sshll.u32 s0, $0x6;
	s8 =	smul.u32 $0x140000, s5;
	s9 =	sshll.u32 s5, $0x4  }
0xb: {  	_ =	strace $0x8000004A;
	s10 =	ssub.s32 $0x2, s5;
	s5 =	sadd.s32 $0x1800, s6  }
0xc: {  	s13 =	sor.u32 $0x1C06, s13;
	s9 =	sor.u32 s0, s9;
	s11 =	sshrl.u32 s10, $0x1  }
0xd: {  	s31 =	sshrl.u32 s7, $0x1;
	s8 =	sadd.s32 s7, s8;
	s9 =	smul.u32 $0x500, s9  }
0xe: {  	s10 =	ssub.s32 s10, s11;
	s14 =	sadd.s32 s31, s3;
	s11 =	simm.s32 $0x6  }
0xf: {  	s8 =	sshrl.u32 s8, $0x4;
	s10 =	smax.u32 s10, $0x1;
	s9 =	sadd.s32 s9, s6  }
0x10: {  	s14 =	sshrl.u32 s14, $0x3;
	s8 =	sadd.s32 s8, s6;
	s6 =	sadd.s32 $0x2C00, s9  }
0x11: {  	v0 =	vimm.f32 $0.0e+00;
	v1 =	vimm.f32 $1.000000000e+00;
	s7 =	sadd.s32 $0xCC00, s9;
	s8 =	sadd.s32 $0x20C00, s8;
	s9 =	sadd.s32 $0x16C00, s9  }
.LBB2_1:
0x12: {  	[tilespmem:s4], [sflag:$0x6] =	stream.linear.gather [hbm4b:s6+s4], $0x2800, $0x38;
	[tilespmem:$0x1B800] =	vst v63  }
0x13: {  	_ =	swait.ge [sflag:s11], $0x2800  }
0x14: {  	[sflag:s11] =	ssyncset.done $0x0  }
0x15: {  	[sflag:s11] =	ssyncadd.s32 $0xFFFFD800  }
0x16: {  	[tilespmem:s12], [sflag:$0x6] =	stream.linear.gather [hbm4b:s7+s4], $0x2800, $0x38;
	[tilespmem:$0x1B800] =	vst v63  }
0x17: {  	_ =	swait.ge [sflag:s11], $0x2800  }
0x18: {  	[sflag:s11] =	ssyncset.done $0x0  }
0x19: {  	[sflag:s11] =	ssyncadd.s32 $0xFFFFD800  }
0x1a: {  	[spmem:s14], [sflag:s13] =	dma.local [hbm:s5], $0x1400  }
0x1b: {  	_ =	swait.ge [sflag:s11], $0x1400  }
0x1c: {  	[sflag:s11] =	ssyncset.done $0x0  }
0x1d: {  	s29 =	simm.s32 $0x40;
	s30 =	simm.s32 $0x0;
	[sflag:s11] =	ssyncadd.s32 $0xFFFFEC00  }
.LBB2_2:
0x1e: {  	p0 =	sne.s32 s29, $0x9FC0;
	[tilespmem:s30+$0x19000] =	vst v0;
	s30 =	smov.u32 s29;
	s29 =	sadd.s32 $0x40, s29  }
.Ltmp0:
0x1f: {  	(pc) =	sbr.rel @p0 .LBB2_2-.Ltmp0, $2  }
0x20: {  	_ =	sdelay $0x2  }
0x21: {  	s30 =	sshra.s32 s30, $0x2  }
0x22: {  	[tilespmem:s30+$0x19000] =	vst v0  }
0x23: {  	s29 =	simm.s32 $0x0;
	[bflag:$0x0] =	sbarrier.arrive $0xFFFF  }
.LBB2_4:
0x24: {  	s30 =	sshra.s32 s29, $0x2  }
0x25: {  	[tilespmem:s16], [sflag:$0x1] =	stream.indirect.gather [hbm4b:s1+s15], $0x40, s30, s15, $0xb8;
	[tilespmem:$0x1B800] =	vst v63  }
0x26: {  	s31 =	sadd.s32 $0x80, s30  }
0x27: {  	[tilespmem:s17], [sflag:$0x2] =	stream.indirect.gather [hbm4b:s1+s15], $0x40, s31, s15, $0xb8;
	[tilespmem:$0x1B800] =	vst v63  }
0x28: {  	s31 =	sadd.s32 $0x100, s30  }
0x29: {  	[tilespmem:s18], [sflag:$0x3] =	stream.indirect.gather [hbm4b:s1+s15], $0x40, s31, s15, $0xb8;
	[tilespmem:$0x1B800] =	vst v63  }
0x2a: {  	s31 =	sadd.s32 $0x180, s30  }
0x2b: {  	[tilespmem:s19], [sflag:$0x4] =	stream.indirect.gather [hbm4b:s1+s15], $0x40, s31, s15, $0xb8;
	[tilespmem:$0x1B800] =	vst v63  }
0x2c: {  	s31 =	sadd.s32 $0x200, s30  }
0x2d: {  	[tilespmem:s20], [sflag:$0x5] =	stream.indirect.gather [hbm4b:s1+s15], $0x40, s31, s15, $0xb8;
	[tilespmem:$0x1B800] =	vst v63  }
0x2e: {  	_ =	swait.ge [sflag:s21], $0x2000  }
0x2f: {  	[sflag:s21] =	ssyncset.done $0x0  }
0x30: {  	s31 =	sadd.s32 $0x2800, s30;
	[sflag:s21] =	ssyncadd.s32 $0xFFFFE000  }
0x31: {  	[spmem:s3] =	stream.indirect.scatter.add.bf16 [tilespmem:s16], [sflag:$0x6], $0x40, s31, s15, $0xb8;
	[tilespmem:$0x1B800] =	vst v63  }
0x32: {  	_ =	swait.ge [sflag:s11], $0x2000  }
0x33: {  	[sflag:s11] =	ssyncset.done $0x0  }
0x34: {  	[sflag:s11] =	ssyncadd.s32 $0xFFFFE000  }
0x35: {  	v2 =	vld [tilespmem:s30+$0x2800];
	_ =	sdelay $0x7  }
0x36: {  	[tilespmem:v2+s22+$0x0] =	vst.idx.add.f32.msk $0xffff, v1  }
0x37: {  	v2 =	vld [tilespmem:s30+$0x2810];
	_ =	sdelay $0x7  }
0x38: {  	[tilespmem:v2+s22+$0x0] =	vst.idx.add.f32.msk $0xffff, v1  }
0x39: {  	v2 =	vld [tilespmem:s30+$0x2820];
	_ =	sdelay $0x7  }
0x3a: {  	[tilespmem:v2+s22+$0x0] =	vst.idx.add.f32.msk $0xffff, v1  }
0x3b: {  	v2 =	vld [tilespmem:s30+$0x2830];
	_ =	sdelay $0x7  }
0x3c: {  	[tilespmem:v2+s22+$0x0] =	vst.idx.add.f32.msk $0xffff, v1  }
0x3d: {  	v2 =	vld [tilespmem:s30+$0x2840];
	_ =	sdelay $0x7  }
0x3e: {  	[tilespmem:v2+s22+$0x0] =	vst.idx.add.f32.msk $0xffff, v1  }
0x3f: {  	v2 =	vld [tilespmem:s30+$0x2850];
	_ =	sdelay $0x7  }
0x40: {  	[tilespmem:v2+s22+$0x0] =	vst.idx.add.f32.msk $0xffff, v1  }
0x41: {  	v2 =	vld [tilespmem:s30+$0x2860];
	_ =	sdelay $0x7  }
0x42: {  	[tilespmem:v2+s22+$0x0] =	vst.idx.add.f32.msk $0xffff, v1  }
0x43: {  	v2 =	vld [tilespmem:s30+$0x2870];
	_ =	sdelay $0x7  }
0x44: {  	[tilespmem:v2+s22+$0x0] =	vst.idx.add.f32.msk $0xffff, v1  }
0x45: {  	_ =	swait.ge [sflag:s23], $0x2000  }
0x46: {  	[sflag:s23] =	ssyncset.done $0x0  }
0x47: {  	s31 =	sadd.s32 $0x2880, s30;
	[sflag:s23] =	ssyncadd.s32 $0xFFFFE000  }
0x48: {  	[spmem:s3] =	stream.indirect.scatter.add.bf16 [tilespmem:s17], [sflag:$0x6], $0x40, s31, s15, $0xb8;
	[tilespmem:$0x1B800] =	vst v63  }
0x49: {  	_ =	swait.ge [sflag:s11], $0x2000  }
0x4a: {  	[sflag:s11] =	ssyncset.done $0x0  }
0x4b: {  	[sflag:s11] =	ssyncadd.s32 $0xFFFFE000  }
0x4c: {  	v2 =	vld [tilespmem:s30+$0x2880];
	_ =	sdelay $0x7  }
0x4d: {  	[tilespmem:v2+s22+$0x0] =	vst.idx.add.f32.msk $0xffff, v1  }
0x4e: {  	v2 =	vld [tilespmem:s30+$0x2890];
	_ =	sdelay $0x7  }
0x4f: {  	[tilespmem:v2+s22+$0x0] =	vst.idx.add.f32.msk $0xffff, v1  }
0x50: {  	v2 =	vld [tilespmem:s30+$0x28A0];
	_ =	sdelay $0x7  }
0x51: {  	[tilespmem:v2+s22+$0x0] =	vst.idx.add.f32.msk $0xffff, v1  }
0x52: {  	v2 =	vld [tilespmem:s30+$0x28B0];
	_ =	sdelay $0x7  }
0x53: {  	[tilespmem:v2+s22+$0x0] =	vst.idx.add.f32.msk $0xffff, v1  }
0x54: {  	v2 =	vld [tilespmem:s30+$0x28C0];
	_ =	sdelay $0x7  }
0x55: {  	[tilespmem:v2+s22+$0x0] =	vst.idx.add.f32.msk $0xffff, v1  }
0x56: {  	v2 =	vld [tilespmem:s30+$0x28D0];
	_ =	sdelay $0x7  }
0x57: {  	[tilespmem:v2+s22+$0x0] =	vst.idx.add.f32.msk $0xffff, v1  }
0x58: {  	v2 =	vld [tilespmem:s30+$0x28E0];
	_ =	sdelay $0x7  }
0x59: {  	[tilespmem:v2+s22+$0x0] =	vst.idx.add.f32.msk $0xffff, v1  }
0x5a: {  	v2 =	vld [tilespmem:s30+$0x28F0];
	_ =	sdelay $0x7  }
0x5b: {  	[tilespmem:v2+s22+$0x0] =	vst.idx.add.f32.msk $0xffff, v1  }
0x5c: {  	_ =	swait.ge [sflag:s24], $0x2000  }
0x5d: {  	[sflag:s24] =	ssyncset.done $0x0  }
0x5e: {  	s31 =	sadd.s32 $0x2900, s30;
	[sflag:s24] =	ssyncadd.s32 $0xFFFFE000  }
0x5f: {  	[spmem:s3] =	stream.indirect.scatter.add.bf16 [tilespmem:s18], [sflag:$0x6], $0x40, s31, s15, $0xb8;
	[tilespmem:$0x1B800] =	vst v63  }
0x60: {  	_ =	swait.ge [sflag:s11], $0x2000  }
0x61: {  	[sflag:s11] =	ssyncset.done $0x0  }
0x62: {  	[sflag:s11] =	ssyncadd.s32 $0xFFFFE000  }
0x63: {  	v2 =	vld [tilespmem:s30+$0x2900];
	_ =	sdelay $0x7  }
0x64: {  	[tilespmem:v2+s22+$0x0] =	vst.idx.add.f32.msk $0xffff, v1  }
0x65: {  	v2 =	vld [tilespmem:s30+$0x2910];
	_ =	sdelay $0x7  }
0x66: {  	[tilespmem:v2+s22+$0x0] =	vst.idx.add.f32.msk $0xffff, v1  }
0x67: {  	v2 =	vld [tilespmem:s30+$0x2920];
	_ =	sdelay $0x7  }
0x68: {  	[tilespmem:v2+s22+$0x0] =	vst.idx.add.f32.msk $0xffff, v1  }
0x69: {  	v2 =	vld [tilespmem:s30+$0x2930];
	_ =	sdelay $0x7  }
0x6a: {  	[tilespmem:v2+s22+$0x0] =	vst.idx.add.f32.msk $0xffff, v1  }
0x6b: {  	v2 =	vld [tilespmem:s30+$0x2940];
	_ =	sdelay $0x7  }
0x6c: {  	[tilespmem:v2+s22+$0x0] =	vst.idx.add.f32.msk $0xffff, v1  }
0x6d: {  	v2 =	vld [tilespmem:s30+$0x2950];
	_ =	sdelay $0x7  }
0x6e: {  	[tilespmem:v2+s22+$0x0] =	vst.idx.add.f32.msk $0xffff, v1  }
0x6f: {  	v2 =	vld [tilespmem:s30+$0x2960];
	_ =	sdelay $0x7  }
0x70: {  	[tilespmem:v2+s22+$0x0] =	vst.idx.add.f32.msk $0xffff, v1  }
0x71: {  	v2 =	vld [tilespmem:s30+$0x2970];
	_ =	sdelay $0x7  }
0x72: {  	[tilespmem:v2+s22+$0x0] =	vst.idx.add.f32.msk $0xffff, v1  }
0x73: {  	_ =	swait.ge [sflag:s25], $0x2000  }
0x74: {  	[sflag:s25] =	ssyncset.done $0x0  }
0x75: {  	s31 =	sadd.s32 $0x2980, s30;
	[sflag:s25] =	ssyncadd.s32 $0xFFFFE000  }
0x76: {  	[spmem:s3] =	stream.indirect.scatter.add.bf16 [tilespmem:s19], [sflag:$0x6], $0x40, s31, s15, $0xb8;
	[tilespmem:$0x1B800] =	vst v63  }
0x77: {  	_ =	swait.ge [sflag:s11], $0x2000  }
0x78: {  	[sflag:s11] =	ssyncset.done $0x0  }
0x79: {  	[sflag:s11] =	ssyncadd.s32 $0xFFFFE000  }
0x7a: {  	v2 =	vld [tilespmem:s30+$0x2980];
	_ =	sdelay $0x7  }
0x7b: {  	[tilespmem:v2+s22+$0x0] =	vst.idx.add.f32.msk $0xffff, v1  }
0x7c: {  	v2 =	vld [tilespmem:s30+$0x2990];
	_ =	sdelay $0x7  }
0x7d: {  	[tilespmem:v2+s22+$0x0] =	vst.idx.add.f32.msk $0xffff, v1  }
0x7e: {  	v2 =	vld [tilespmem:s30+$0x29A0];
	_ =	sdelay $0x7  }
0x7f: {  	[tilespmem:v2+s22+$0x0] =	vst.idx.add.f32.msk $0xffff, v1  }
0x80: {  	v2 =	vld [tilespmem:s30+$0x29B0];
	_ =	sdelay $0x7  }
0x81: {  	[tilespmem:v2+s22+$0x0] =	vst.idx.add.f32.msk $0xffff, v1  }
0x82: {  	v2 =	vld [tilespmem:s30+$0x29C0];
	_ =	sdelay $0x7  }
0x83: {  	[tilespmem:v2+s22+$0x0] =	vst.idx.add.f32.msk $0xffff, v1  }
0x84: {  	v2 =	vld [tilespmem:s30+$0x29D0];
	_ =	sdelay $0x7  }
0x85: {  	[tilespmem:v2+s22+$0x0] =	vst.idx.add.f32.msk $0xffff, v1  }
0x86: {  	v2 =	vld [tilespmem:s30+$0x29E0];
	_ =	sdelay $0x7  }
0x87: {  	[tilespmem:v2+s22+$0x0] =	vst.idx.add.f32.msk $0xffff, v1  }
0x88: {  	v2 =	vld [tilespmem:s30+$0x29F0];
	_ =	sdelay $0x7  }
0x89: {  	[tilespmem:v2+s22+$0x0] =	vst.idx.add.f32.msk $0xffff, v1  }
0x8a: {  	_ =	swait.ge [sflag:s26], $0x2000  }
0x8b: {  	[sflag:s26] =	ssyncset.done $0x0  }
0x8c: {  	s31 =	sadd.s32 $0x2A00, s30;
	[sflag:s26] =	ssyncadd.s32 $0xFFFFE000  }
0x8d: {  	[spmem:s3] =	stream.indirect.scatter.add.bf16 [tilespmem:s20], [sflag:$0x6], $0x40, s31, s15, $0xb8;
	[tilespmem:$0x1B800] =	vst v63  }
0x8e: {  	_ =	swait.ge [sflag:s11], $0x2000  }
0x8f: {  	[sflag:s11] =	ssyncset.done $0x0  }
0x90: {  	[sflag:s11] =	ssyncadd.s32 $0xFFFFE000  }
0x91: {  	v2 =	vld [tilespmem:s30+$0x2A00];
	_ =	sdelay $0x7  }
0x92: {  	[tilespmem:v2+s22+$0x0] =	vst.idx.add.f32.msk $0xffff, v1  }
0x93: {  	v2 =	vld [tilespmem:s30+$0x2A10];
	_ =	sdelay $0x7  }
0x94: {  	[tilespmem:v2+s22+$0x0] =	vst.idx.add.f32.msk $0xffff, v1  }
0x95: {  	v2 =	vld [tilespmem:s30+$0x2A20];
	_ =	sdelay $0x7  }
0x96: {  	[tilespmem:v2+s22+$0x0] =	vst.idx.add.f32.msk $0xffff, v1  }
0x97: {  	v2 =	vld [tilespmem:s30+$0x2A30];
	_ =	sdelay $0x7  }
0x98: {  	[tilespmem:v2+s22+$0x0] =	vst.idx.add.f32.msk $0xffff, v1  }
0x99: {  	v2 =	vld [tilespmem:s30+$0x2A40];
	_ =	sdelay $0x7  }
0x9a: {  	[tilespmem:v2+s22+$0x0] =	vst.idx.add.f32.msk $0xffff, v1  }
0x9b: {  	v2 =	vld [tilespmem:s30+$0x2A50];
	_ =	sdelay $0x7  }
0x9c: {  	[tilespmem:v2+s22+$0x0] =	vst.idx.add.f32.msk $0xffff, v1  }
0x9d: {  	v2 =	vld [tilespmem:s30+$0x2A60];
	_ =	sdelay $0x7  }
0x9e: {  	[tilespmem:v2+s22+$0x0] =	vst.idx.add.f32.msk $0xffff, v1  }
0x9f: {  	v2 =	vld [tilespmem:s30+$0x2A70];
	_ =	sdelay $0x2  }
0xa0: {  	p0 =	sne.s32 s29, $0x9600  }
.Ltmp1:
0xa1: {  	_ = 	snop;
	(pc) =	sbr.rel @p0 .LBB2_4-.Ltmp1, $2  }
0xa2: {  	_ =	sdelay $0x2  }
0xa3: {  	s29 =	sadd.s32 $0xA00, s29;
	[tilespmem:v2+s22+$0x0] =	vst.idx.add.f32.msk $0xffff, v1  }
0xa4: {  	[bflag:$0x0] =	sbarrier.arrive $0xFFFF  }
0xa5: {  	[hbm:s8], [sflag:s13] =	dma.local [spmem:s14], $0x1400  }
0xa6: {  	s28 =	sadd.s32 $0x1, s28;
	_ =	swait.ge [sflag:s11], $0x1400  }
0xa7: {  	p0 =	sne.s32 s28, s10;
	[sflag:s11] =	ssyncset.done $0x0  }
.Ltmp2:
0xa8: {  	[sflag:s11] =	ssyncadd.s32 $0xFFFFEC00;
	(pc) =	sbr.rel @p0 .LBB2_1-.Ltmp2, $4  }
0xa9: {  	[hbm4b:s9+s4] =	stream.linear.scatter [tilespmem:s22], [sflag:$0x6], $0x2800, $0x38;
	[tilespmem:$0x1B800] =	vst v63  }
0xaa: {  	_ =	swait.ge [sflag:s11], $0x2800  }
0xab: {  	[sflag:s11] =	ssyncset.done $0x0  }
0xac: {  	[sflag:s11] =	ssyncadd.s32 $0xFFFFD800  }
0xad: {  	_ =	sfence.sel $0x180000  }
0xae: {  	[bflag:$0x0] =	sbarrier.arrive $0xFFFF  }
0xaf: {  	p0 =	sne.s32 s0, $0x0;
	_ =	strace $0x9000004A  }
0xb0: {  	s0 =	sadd.s32 @!p0 $0x100000, s2;
	[bflag:$0x2] =	sbarrier.arrive $0xFFFF  }
0xb1: {  	[sflag:s0] =	ssyncadd.tile.s32 @!p0 $0x1;
	_ =	shalt  }
.Lfunc_end2:
_tile_overlayer_lowered:
.L_overlay_start_2:
0xb2: {  	(tag) =	ssettag $0x2  }
0xb3: {  	s0 =	rddreg [dreg:$0x0];
	s2 =	stileid.u32  }
0xb4: {  	s1 =	rddreg [dreg:$0x1];
	p0 =	sne.s32 s2, $0x0  }
0xb5: {  	s3 =	rddreg [dreg:$0x2];
	[bflag:$0x3] =	sbarrier.arrive $0xFFFF;
	s2 =	simm.s32 @!p0 $0x1C06  }
0xb6: {  	[timem:s3], [sflag:s2] =	dma.local @!p0 [hbm:s0], s1  }
0xb7: {  	s0 =	simm.s32 @!p0 $0x6  }
0xb8: {  	_ =	swait.ge @!p0 [sflag:s0], s1  }
0xb9: {  	s1 =	ssub.s32 @!p0 $0x0, s1;
	[sflag:s0] =	ssyncset.done @!p0 $0x0  }
0xba: {  	[sflag:s0] =	ssyncadd.s32 @!p0 s1  }
0xbb: {  	[bflag:$0x3] =	sbarrier.arrive $0xFFFF  }
0xbc: {  	_ =	shalt  }

</sc_bundles>
